<compile_context>
chip_gen: v7x
topology: tpu7x:2x2x1
jax: 0.10.2.dev20260603
libtpu: 0.0.44.dev20260713+nightly
codegen_flags: <defaults>
</compile_context>

<pallas_src>
import functools

import jax
import jax.numpy as jnp
from jax import lax
from jax.experimental import pallas as pl
from jax.experimental.pallas import tpu as pltpu
from jax.experimental.pallas import tpu_sc as plsc

N_NODES = 10000
N_PAD = 10240
N_EDGES = 320000
D = 128
H = 8
DH = 16
ROW = 144
BLK = 1000
PBLK = 1024
N_TC_BLOCKS = N_NODES // BLK
CHUNK = 40
N_WORKERS = 32
EDGES_PER_TILE = N_EDGES // N_WORKERS
CHUNKS_PER_TILE = EDGES_PER_TILE // CHUNK
ROWS_PER_TILE = N_PAD // 16

_HI = lax.Precision.HIGHEST


def _prep_body(x_ref, wvt_ref, bv_ref, aq_w_ref, cq_ref, ak_w_ref, ck_ref,
               vext_ref, aq_ref, ak_ref):
    x = x_ref[...]
    v = lax.dot_general(x, wvt_ref[...], (((1,), (0,)), ((), ())),
                        precision=_HI, preferred_element_type=jnp.float32)
    ones8 = jnp.ones((PBLK, 8), jnp.float32)
    zeros8 = jnp.zeros((PBLK, 8), jnp.float32)
    vext_ref[...] = jnp.concatenate([ones8, zeros8, v + bv_ref[...]], axis=1)
    aq_ref[...] = lax.dot_general(x, aq_w_ref[...], (((1,), (0,)), ((), ())),
                                  precision=_HI,
                                  preferred_element_type=jnp.float32) + cq_ref[...]
    ak_ref[...] = lax.dot_general(x, ak_w_ref[...], (((1,), (0,)), ((), ())),
                                  precision=_HI,
                                  preferred_element_type=jnp.float32) + ck_ref[...]


def _run_prep(x, wvt, bv, aq_w, cq, ak_w, ck):
    full = lambda shape: pl.BlockSpec(shape, lambda i: (0,) * len(shape))
    return pl.pallas_call(
        _prep_body,
        grid=(N_PAD // PBLK,),
        in_specs=[
            pl.BlockSpec((PBLK, D), lambda i: (i, 0)),
            full((D, D)), full((1, D)),
            full((D, DH)), full((1, DH)),
            full((D, DH)), full((1, DH)),
        ],
        out_specs=[
            pl.BlockSpec((PBLK, ROW), lambda i: (i, 0)),
            pl.BlockSpec((PBLK, DH), lambda i: (i, 0)),
            pl.BlockSpec((PBLK, DH), lambda i: (i, 0)),
        ],
        out_shape=[
            jax.ShapeDtypeStruct((N_PAD, ROW), jnp.float32),
            jax.ShapeDtypeStruct((N_PAD, DH), jnp.float32),
            jax.ShapeDtypeStruct((N_PAD, DH), jnp.float32),
        ],
    )(x, wvt, bv, aq_w, cq, ak_w, ck)


NBUF = 2


def _edge_body(src_hbm, tgt_hbm, aq_hbm, ak_hbm, vext_hbm, zeros_hbm,
               agg_hbm,
               src_idx, tgt_idx, aq_l, ak_l, msg_l, agg_sh,
               gq_l, gk_l, gv_l, sc_l):
    cid = lax.axis_index("c")
    sid = lax.axis_index("s")
    wid = cid * 16 + sid

    pltpu.sync_copy(zeros_hbm, agg_sh.at[pl.ds(sid * ROWS_PER_TILE,
                                               ROWS_PER_TILE)])

    pltpu.sync_copy(src_hbm.at[wid], src_idx)
    pltpu.sync_copy(tgt_hbm.at[wid], tgt_idx)
    plsc.subcore_barrier()

    def issue(g, b):
        pltpu.async_copy(aq_hbm.at[tgt_idx.at[g]], aq_l[b], gq_l[b])
        pltpu.async_copy(ak_hbm.at[src_idx.at[g]], ak_l[b], gk_l[b])
        pltpu.async_copy(vext_hbm.at[src_idx.at[g]], msg_l[b], gv_l[b])

    def wait_gathers(g, b):
        pltpu.make_async_copy(aq_hbm.at[tgt_idx.at[g]], aq_l[b],
                              gq_l[b]).wait()
        pltpu.make_async_copy(ak_hbm.at[src_idx.at[g]], ak_l[b],
                              gk_l[b]).wait()
        pltpu.make_async_copy(vext_hbm.at[src_idx.at[g]], msg_l[b],
                              gv_l[b]).wait()

    def wait_scatter(g, b):
        pltpu.make_async_copy(msg_l[b], agg_sh.at[tgt_idx.at[g]],
                              sc_l[b]).wait()

    issue(0, 0)

    def pair_body(p, carry):
        for b in range(NBUF):
            g = NBUF * p + b
            bn = (b + 1) % NBUF

            @pl.when(g + 1 < CHUNKS_PER_TILE)
            def _():
                @pl.when(g + 1 >= NBUF)
                def _():
                    wait_scatter(g, bn)
                issue(g + 1, bn)

            wait_gathers(g, b)
            aq_v, ak_v, msg_v = aq_l[b], ak_l[b], msg_l[b]

            def edge_body(e, c2):
                s16 = aq_v[e, :] + ak_v[e, :]
                s16 = jnp.maximum(s16, 0.2 * s16)
                w16 = jnp.exp(s16)
                msg_v[e, pl.ds(0, 16)] = msg_v[e, pl.ds(0, 16)] * w16
                for h in range(H):
                    sl = pl.ds(16 + h * DH, DH)
                    msg_v[e, sl] = msg_v[e, sl] * w16[h]
                return c2

            lax.fori_loop(0, CHUNK, edge_body, 0, unroll=2)
            pltpu.async_copy(msg_v, agg_sh.at[tgt_idx.at[g]], sc_l[b],
                             add=True)
        return carry

    lax.fori_loop(0, CHUNKS_PER_TILE // NBUF, pair_body, 0)
    for b in range(NBUF):
        wait_scatter(CHUNKS_PER_TILE - NBUF + b, b)
    plsc.subcore_barrier()

    pltpu.sync_copy(agg_sh.at[pl.ds(sid * ROWS_PER_TILE, ROWS_PER_TILE)],
                    agg_hbm.at[cid, pl.ds(sid * ROWS_PER_TILE, ROWS_PER_TILE)])


def _run_edges(src2, tgt2, aq, ak, vext, zeros_tile):
    mesh = plsc.VectorSubcoreMesh(core_axis_name="c", subcore_axis_name="s")
    f = functools.partial(
        pl.kernel,
        mesh=mesh,
        compiler_params=pltpu.CompilerParams(use_tc_tiling_on_sc=False),
        out_type=jax.ShapeDtypeStruct((2, N_PAD, ROW), jnp.float32),
        scratch_types=[
            pltpu.VMEM((CHUNKS_PER_TILE, CHUNK), jnp.int32),
            pltpu.VMEM((CHUNKS_PER_TILE, CHUNK), jnp.int32),
            [pltpu.VMEM((CHUNK, DH), jnp.float32) for _ in range(NBUF)],
            [pltpu.VMEM((CHUNK, DH), jnp.float32) for _ in range(NBUF)],
            [pltpu.VMEM((CHUNK, ROW), jnp.float32) for _ in range(NBUF)],
            pltpu.VMEM_SHARED((N_PAD, ROW), jnp.float32),
            [pltpu.SemaphoreType.DMA for _ in range(NBUF)],
            [pltpu.SemaphoreType.DMA for _ in range(NBUF)],
            [pltpu.SemaphoreType.DMA for _ in range(NBUF)],
            [pltpu.SemaphoreType.DMA for _ in range(NBUF)],
        ],
    )(_edge_body)
    return f(src2, tgt2, aq, ak, vext, zeros_tile)


def _epi_body(ssum2_ref, aggv2_ref, x_ref, wot_ref, bo_ref, lnw_ref, lnb_ref,
              rexp_ref, out_ref):
    ss = ssum2_ref[0] + ssum2_ref[1]
    ss = jnp.where(ss == 0.0, 1.0, ss)
    rec = 1.0 / ss
    recx = lax.dot_general(rec, rexp_ref[...], (((1,), (0,)), ((), ())),
                           precision=_HI, preferred_element_type=jnp.float32)
    av = (aggv2_ref[0] + aggv2_ref[1]) * recx
    y = lax.dot_general(av, wot_ref[...], (((1,), (0,)), ((), ())),
                        precision=_HI, preferred_element_type=jnp.float32)
    y = y + bo_ref[...] + x_ref[...]
    mu = jnp.mean(y, axis=1, keepdims=True)
    yc = y - mu
    var = jnp.mean(yc * yc, axis=1, keepdims=True)
    out_ref[...] = yc * lax.rsqrt(var + 1e-5) * lnw_ref[...] + lnb_ref[...]


def _run_epilogue(ssum2, aggv2, x, wot, bo, lnw, lnb, rexp):
    full = lambda shape: pl.BlockSpec(shape, lambda i: (0,) * len(shape))
    return pl.pallas_call(
        _epi_body,
        grid=(N_TC_BLOCKS,),
        in_specs=[
            pl.BlockSpec((2, BLK, H), lambda i: (0, i, 0)),
            pl.BlockSpec((2, BLK, D), lambda i: (0, i, 0)),
            pl.BlockSpec((BLK, D), lambda i: (i, 0)),
            full((D, D)), full((1, D)), full((1, D)), full((1, D)),
            full((H, D)),
        ],
        out_specs=pl.BlockSpec((BLK, D), lambda i: (i, 0)),
        out_shape=jax.ShapeDtypeStruct((N_NODES, D), jnp.float32),
    )(ssum2, aggv2, x, wot, bo, lnw, lnb, rexp)


def kernel(node_features, edge_index, Wq, bq, Wk, bk, Wv, bv, attention,
           Wo, bo, ln_w, ln_b):
    x = node_features[0]
    att_q = attention[:, :DH]
    att_k = attention[:, DH:]

    aq_w = jnp.einsum("hd,hdi->ih", att_q, Wq.reshape(H, DH, D))
    ak_w = jnp.einsum("hd,hdi->ih", att_k, Wk.reshape(H, DH, D))
    pad = jnp.zeros((D, H), jnp.float32)
    aq_w16 = jnp.concatenate([aq_w, pad], axis=1)
    ak_w16 = jnp.concatenate([ak_w, pad], axis=1)
    cq = (bq.reshape(H, DH) * att_q).sum(-1)
    ck = (bk.reshape(H, DH) * att_k).sum(-1)
    cq16 = jnp.concatenate([cq, jnp.zeros((H,), jnp.float32)]).reshape(1, 2 * H)
    ck16 = jnp.concatenate([ck, jnp.zeros((H,), jnp.float32)]).reshape(1, 2 * H)

    x_pad = jnp.concatenate(
        [x, jnp.zeros((N_PAD - N_NODES, D), jnp.float32)], axis=0)
    vext, aq, ak = _run_prep(x_pad, Wv.T, bv.reshape(1, D), aq_w16, cq16,
                             ak_w16, ck16)

    src2 = edge_index[0, 0].astype(jnp.int32).reshape(
        N_WORKERS, CHUNKS_PER_TILE, CHUNK)
    tgt2 = edge_index[0, 1].astype(jnp.int32).reshape(
        N_WORKERS, CHUNKS_PER_TILE, CHUNK)
    zeros_tile = jnp.zeros((ROWS_PER_TILE, ROW), jnp.float32)

    agg2 = _run_edges(src2, tgt2, aq, ak, vext, zeros_tile)

    ssum2 = agg2[:, :N_NODES, :H]
    aggv2 = agg2[:, :N_NODES, 16:]
    rexp = jnp.repeat(jnp.eye(H, dtype=jnp.float32), DH, axis=1)
    out = _run_epilogue(ssum2, aggv2, x, Wo.T, bo.reshape(1, D),
                        ln_w.reshape(1, D), ln_b.reshape(1, D), rexp)
    return out.reshape(1, N_NODES, D)

# --- scband reference (transcript-rebuilt; emitter-appended) ---
"""Pipeline reference for scband-gatlayer-64682207478126 (READ-ONLY COPY).

The authoritative reference and input builder live on the scoring server;
editing this copy changes nothing except your own understanding.
"""

import jax, jax.numpy as jnp
import numpy as np

N_NODES = 10000
N_EDGES = 320000
IN_DIM = 128
OUT_DIM = 128
NUM_HEADS = 8
HEAD_DIM = OUT_DIM // NUM_HEADS


def setup_inputs(seed: int = 0) -> dict:
    key = jax.random.key(seed)
    ks = jax.random.split(key, 16)
    node_features = jax.random.normal(ks[0], (1, N_NODES, IN_DIM), dtype=jnp.float32)
    edge_index = jax.random.randint(ks[1], (1, 2, N_EDGES), 0, N_NODES, dtype=jnp.int64)
    HD = NUM_HEADS * HEAD_DIM
    Wq = jax.random.normal(ks[2], (HD, IN_DIM), dtype=jnp.float32) * 0.05
    bq = jnp.zeros((HD,), dtype=jnp.float32)
    Wk = jax.random.normal(ks[3], (HD, IN_DIM), dtype=jnp.float32) * 0.05
    bk = jnp.zeros((HD,), dtype=jnp.float32)
    Wv = jax.random.normal(ks[4], (HD, IN_DIM), dtype=jnp.float32) * 0.05
    bv = jnp.zeros((HD,), dtype=jnp.float32)
    attention = jax.random.normal(ks[5], (NUM_HEADS, 2 * HEAD_DIM), dtype=jnp.float32) * 0.1
    Wo = jax.random.normal(ks[6], (OUT_DIM, HD), dtype=jnp.float32) * 0.05
    bo = jnp.zeros((OUT_DIM,), dtype=jnp.float32)
    ln_w = jnp.ones((OUT_DIM,), dtype=jnp.float32)
    ln_b = jnp.zeros((OUT_DIM,), dtype=jnp.float32)
    return {"node_features": node_features, "edge_index": edge_index,
            "Wq": Wq, "bq": bq, "Wk": Wk, "bk": bk, "Wv": Wv, "bv": bv,
            "attention": attention, "Wo": Wo, "bo": bo, "ln_w": ln_w, "ln_b": ln_b}


def reference(node_features, edge_index, Wq, bq, Wk, bk, Wv, bv, attention, Wo, bo, ln_w, ln_b):
    B, N, _ = node_features.shape
    H, Dh = NUM_HEADS, HEAD_DIM
    Q = (node_features @ Wq.T + bq).reshape(B, N, H, Dh)
    K = (node_features @ Wk.T + bk).reshape(B, N, H, Dh)
    V = (node_features @ Wv.T + bv).reshape(B, N, H, Dh)
    outs = []
    for b in range(B):
        src = edge_index[b, 0]
        tgt = edge_index[b, 1]
        q_tgt = Q[b][tgt]          # [E, H, Dh]
        k_src = K[b][src]          # [E, H, Dh]
        v_src = V[b][src]          # [E, H, Dh]
        qk = jnp.concatenate([q_tgt, k_src], axis=-1)   # [E, H, 2*Dh]
        scores = (qk * attention[None]).sum(axis=-1)    # [E, H]
        scores = jax.nn.leaky_relu(scores, negative_slope=0.2)
        smax = jax.ops.segment_max(scores, tgt, num_segments=N)   # [N, H]
        smax = jax.lax.stop_gradient(smax)
        ex = jnp.exp(scores - smax[tgt])
        ssum = jax.ops.segment_sum(ex, tgt, num_segments=N)       # [N, H]
        attn_w = ex / ssum[tgt]
        msgs = attn_w[:, :, None] * v_src                          # [E, H, Dh]
        agg = jax.ops.segment_sum(msgs, tgt, num_segments=N)      # [N, H, Dh]
        outs.append(agg)
    out = jnp.stack(outs, axis=0).reshape(B, N, H * Dh)
    out = out @ Wo.T + bo
    # dropout is identity at p=0.0; in_dim == out_dim -> residual + LayerNorm
    out = out + node_features
    mu = out.mean(axis=-1, keepdims=True)
    var = ((out - mu) ** 2).mean(axis=-1, keepdims=True)
    out = (out - mu) / jnp.sqrt(var + 1e-5) * ln_w + ln_b
    return out


if False:  # reference __main__ guard neutralized (emitter)
    inp = setup_inputs()
    o = reference(**inp)
    print(o.shape, o.dtype)

if __name__ == "__main__":
    import jax
    _d = setup_inputs()
    print(jax.jit(kernel)(*tuple(_d.values())))

</pallas_src>

<mosaic_0001>
#map = affine_map<(d0, d1) -> (0, 0, 0)>
#map1 = affine_map<(d0, d1) -> (0, 0)>
module attributes {stable_mosaic.version = 14 : i64} {
  func.func @_edge_body(%arg0: i32, %arg1: i32, %arg2: memref<32x250x40xi32, #tpu.memory_space<hbm>>, %arg3: memref<32x250x40xi32, #tpu.memory_space<hbm>>, %arg4: memref<10240x16xf32, #tpu.memory_space<hbm>>, %arg5: memref<10240x16xf32, #tpu.memory_space<hbm>>, %arg6: memref<10240x144xf32, #tpu.memory_space<hbm>>, %arg7: memref<640x144xf32, #tpu.memory_space<hbm>>, %arg8: memref<2x10240x144xf32, #tpu.memory_space<hbm>>, %arg9: memref<250x40xi32, #tpu.memory_space<vmem>>, %arg10: memref<250x40xi32, #tpu.memory_space<vmem>>, %arg11: memref<40x16xf32, #tpu.memory_space<vmem>>, %arg12: memref<40x16xf32, #tpu.memory_space<vmem>>, %arg13: memref<40x16xf32, #tpu.memory_space<vmem>>, %arg14: memref<40x16xf32, #tpu.memory_space<vmem>>, %arg15: memref<40x144xf32, #tpu.memory_space<vmem>>, %arg16: memref<40x144xf32, #tpu.memory_space<vmem>>, %arg17: memref<10240x144xf32, #tpu.memory_space<vmem_shared>>, %arg18: memref<!tpu.dma_semaphore, #tpu.memory_space<semaphore_mem>>, %arg19: memref<!tpu.dma_semaphore, #tpu.memory_space<semaphore_mem>>, %arg20: memref<!tpu.dma_semaphore, #tpu.memory_space<semaphore_mem>>, %arg21: memref<!tpu.dma_semaphore, #tpu.memory_space<semaphore_mem>>, %arg22: memref<!tpu.dma_semaphore, #tpu.memory_space<semaphore_mem>>, %arg23: memref<!tpu.dma_semaphore, #tpu.memory_space<semaphore_mem>>, %arg24: memref<!tpu.dma_semaphore, #tpu.memory_space<semaphore_mem>>, %arg25: memref<!tpu.dma_semaphore, #tpu.memory_space<semaphore_mem>>) attributes {dimension_semantics = [#tpu.dimension_semantics<core_parallel>, #tpu.dimension_semantics<subcore_parallel>], iteration_bounds = array<i64: 2, 16>, scalar_prefetch = 0 : i64, scratch_operands = 17 : i64, tpu.core_type = #tpu.core_type<sc_vector_subcore>, window_params = [{transform_indices = #map}, {transform_indices = #map}, {transform_indices = #map1}, {transform_indices = #map1}, {transform_indices = #map1}, {transform_indices = #map1}, {transform_indices = #map}]} {
    %mul3A = arith.constant 16 : i32
    %mul3A_0 = arith.muli %arg0, %mul3A : i32
    %add3A = arith.addi %mul3A_0, %arg1 : i32
    %mul3A_1 = arith.constant 640 : i32
    %mul3A_2 = arith.muli %arg1, %mul3A_1 : i32
    "tpu.region"() ({
      %run_scoped3A = tpu.sem_alloc : memref<!tpu.dma_semaphore, #tpu.memory_space<semaphore_mem>>
      %dma_start3A_46 = arith.constant 0 : i32
      %dma_start3A_47 = tpu.memref_slice %arg17[%mul3A_2, %dma_start3A_46] : memref<10240x144xf32, #tpu.memory_space<vmem_shared>> -> memref<640x144xf32, #tpu.memory_space<vmem_shared>>
      tpu.enqueue_dma source(%arg7 : memref<640x144xf32, #tpu.memory_space<hbm>>) target(%dma_start3A_47 : memref<640x144xf32, #tpu.memory_space<vmem_shared>>) target_semaphore(%run_scoped3A : memref<!tpu.dma_semaphore, #tpu.memory_space<semaphore_mem>>)
      %dma_wait3A_48 = arith.constant 0 : i32
      %dma_wait3A_49 = tpu.memref_slice %arg17[%mul3A_2, %dma_wait3A_48] : memref<10240x144xf32, #tpu.memory_space<vmem_shared>> -> memref<640x144xf32, #tpu.memory_space<vmem_shared>>
      tpu.wait_dma2 semaphore(%run_scoped3A : memref<!tpu.dma_semaphore, #tpu.memory_space<semaphore_mem>>) src(%arg7 : memref<640x144xf32, #tpu.memory_space<hbm>>) dst(%dma_wait3A_49 : memref<640x144xf32, #tpu.memory_space<vmem_shared>>)
      tpu.yield
    }) : () -> ()
    "tpu.region"() ({
      %run_scoped3A = tpu.sem_alloc : memref<!tpu.dma_semaphore, #tpu.memory_space<semaphore_mem>>
      %dma_start3A_46 = arith.constant 0 : i32
      %dma_start3A_47 = arith.constant 0 : i32
      %dma_start3A_48 = tpu.memref_slice %arg2[%add3A, %dma_start3A_46, %dma_start3A_47] : memref<32x250x40xi32, #tpu.memory_space<hbm>> -> memref<1x250x40xi32, #tpu.memory_space<hbm>>
      %dma_start3A_49 = tpu.memref_squeeze %dma_start3A_48 : memref<1x250x40xi32, #tpu.memory_space<hbm>> -> memref<250x40xi32, #tpu.memory_space<hbm>>
      %dma_start3A_50 = arith.constant 0 : i32
      %dma_start3A_51 = arith.constant 0 : i32
      %dma_start3A_52 = tpu.memref_slice %arg2[%add3A, %dma_start3A_50, %dma_start3A_51] : memref<32x250x40xi32, #tpu.memory_space<hbm>> -> memref<1x250x40xi32, #tpu.memory_space<hbm>>
      %dma_start3A_53 = tpu.memref_squeeze %dma_start3A_52 : memref<1x250x40xi32, #tpu.memory_space<hbm>> -> memref<250x40xi32, #tpu.memory_space<hbm>>
      tpu.enqueue_dma source(%dma_start3A_53 : memref<250x40xi32, #tpu.memory_space<hbm>>) target(%arg9 : memref<250x40xi32, #tpu.memory_space<vmem>>) target_semaphore(%run_scoped3A : memref<!tpu.dma_semaphore, #tpu.memory_space<semaphore_mem>>)
      %dma_wait3A_54 = arith.constant 0 : i32
      %dma_wait3A_55 = arith.constant 0 : i32
      %dma_wait3A_56 = tpu.memref_slice %arg2[%add3A, %dma_wait3A_54, %dma_wait3A_55] : memref<32x250x40xi32, #tpu.memory_space<hbm>> -> memref<1x250x40xi32, #tpu.memory_space<hbm>>
      %dma_wait3A_57 = tpu.memref_squeeze %dma_wait3A_56 : memref<1x250x40xi32, #tpu.memory_space<hbm>> -> memref<250x40xi32, #tpu.memory_space<hbm>>
      %dma_wait3A_58 = arith.constant 0 : i32
      %dma_wait3A_59 = arith.constant 0 : i32
      %dma_wait3A_60 = tpu.memref_slice %arg2[%add3A, %dma_wait3A_58, %dma_wait3A_59] : memref<32x250x40xi32, #tpu.memory_space<hbm>> -> memref<1x250x40xi32, #tpu.memory_space<hbm>>
      %dma_wait3A_61 = tpu.memref_squeeze %dma_wait3A_60 : memref<1x250x40xi32, #tpu.memory_space<hbm>> -> memref<250x40xi32, #tpu.memory_space<hbm>>
      tpu.wait_dma2 semaphore(%run_scoped3A : memref<!tpu.dma_semaphore, #tpu.memory_space<semaphore_mem>>) src(%dma_wait3A_61 : memref<250x40xi32, #tpu.memory_space<hbm>>) dst(%arg9 : memref<250x40xi32, #tpu.memory_space<vmem>>)
      tpu.yield
    }) : () -> ()
    "tpu.region"() ({
      %run_scoped3A = tpu.sem_alloc : memref<!tpu.dma_semaphore, #tpu.memory_space<semaphore_mem>>
      %dma_start3A_46 = arith.constant 0 : i32
      %dma_start3A_47 = arith.constant 0 : i32
      %dma_start3A_48 = tpu.memref_slice %arg3[%add3A, %dma_start3A_46, %dma_start3A_47] : memref<32x250x40xi32, #tpu.memory_space<hbm>> -> memref<1x250x40xi32, #tpu.memory_space<hbm>>
      %dma_start3A_49 = tpu.memref_squeeze %dma_start3A_48 : memref<1x250x40xi32, #tpu.memory_space<hbm>> -> memref<250x40xi32, #tpu.memory_space<hbm>>
      %dma_start3A_50 = arith.constant 0 : i32
      %dma_start3A_51 = arith.constant 0 : i32
      %dma_start3A_52 = tpu.memref_slice %arg3[%add3A, %dma_start3A_50, %dma_start3A_51] : memref<32x250x40xi32, #tpu.memory_space<hbm>> -> memref<1x250x40xi32, #tpu.memory_space<hbm>>
      %dma_start3A_53 = tpu.memref_squeeze %dma_start3A_52 : memref<1x250x40xi32, #tpu.memory_space<hbm>> -> memref<250x40xi32, #tpu.memory_space<hbm>>
      tpu.enqueue_dma source(%dma_start3A_53 : memref<250x40xi32, #tpu.memory_space<hbm>>) target(%arg10 : memref<250x40xi32, #tpu.memory_space<vmem>>) target_semaphore(%run_scoped3A : memref<!tpu.dma_semaphore, #tpu.memory_space<semaphore_mem>>)
      %dma_wait3A_54 = arith.constant 0 : i32
      %dma_wait3A_55 = arith.constant 0 : i32
      %dma_wait3A_56 = tpu.memref_slice %arg3[%add3A, %dma_wait3A_54, %dma_wait3A_55] : memref<32x250x40xi32, #tpu.memory_space<hbm>> -> memref<1x250x40xi32, #tpu.memory_space<hbm>>
      %dma_wait3A_57 = tpu.memref_squeeze %dma_wait3A_56 : memref<1x250x40xi32, #tpu.memory_space<hbm>> -> memref<250x40xi32, #tpu.memory_space<hbm>>
      %dma_wait3A_58 = arith.constant 0 : i32
      %dma_wait3A_59 = arith.constant 0 : i32
      %dma_wait3A_60 = tpu.memref_slice %arg3[%add3A, %dma_wait3A_58, %dma_wait3A_59] : memref<32x250x40xi32, #tpu.memory_space<hbm>> -> memref<1x250x40xi32, #tpu.memory_space<hbm>>
      %dma_wait3A_61 = tpu.memref_squeeze %dma_wait3A_60 : memref<1x250x40xi32, #tpu.memory_space<hbm>> -> memref<250x40xi32, #tpu.memory_space<hbm>>
      tpu.wait_dma2 semaphore(%run_scoped3A : memref<!tpu.dma_semaphore, #tpu.memory_space<semaphore_mem>>) src(%dma_wait3A_61 : memref<250x40xi32, #tpu.memory_space<hbm>>) dst(%arg10 : memref<250x40xi32, #tpu.memory_space<vmem>>)
      tpu.yield
    }) : () -> ()
    %barrier3A = arith.constant 0 : index
    tpu.barrier barrier_id(%barrier3A)
    %dma_start3A = arith.constant 0 : i32
    %dma_start3A_3 = arith.constant 0 : i32
    %dma_start3A_4 = tpu.memref_slice %arg10[%dma_start3A, %dma_start3A_3] : memref<250x40xi32, #tpu.memory_space<vmem>> -> memref<1x40xi32, #tpu.memory_space<vmem>>
    %dma_start3A_5 = tpu.memref_squeeze %dma_start3A_4 : memref<1x40xi32, #tpu.memory_space<vmem>> -> memref<40xi32, #tpu.memory_space<vmem>>
    %dma_start3A_6 = arith.constant 0 : i32
    %dma_start3A_7 = arith.constant 0 : i32
    %dma_start3A_8 = tpu.memref_slice %arg4[%dma_start3A_6, %dma_start3A_7] : memref<10240x16xf32, #tpu.memory_space<hbm>> -> memref<10240x16xf32, #tpu.memory_space<hbm>>
    tpu.enqueue_indirect_dma source(%dma_start3A_8 : memref<10240x16xf32, #tpu.memory_space<hbm>>) target(%arg11 : memref<40x16xf32, #tpu.memory_space<vmem>>) offsets(%dma_start3A_5 : memref<40xi32, #tpu.memory_space<vmem>>) semaphore(%arg18 : memref<!tpu.dma_semaphore, #tpu.memory_space<semaphore_mem>>)
    %dma_start3A_9 = arith.constant 0 : i32
    %dma_start3A_10 = arith.constant 0 : i32
    %dma_start3A_11 = tpu.memref_slice %arg9[%dma_start3A_9, %dma_start3A_10] : memref<250x40xi32, #tpu.memory_space<vmem>> -> memref<1x40xi32, #tpu.memory_space<vmem>>
    %dma_start3A_12 = tpu.memref_squeeze %dma_start3A_11 : memref<1x40xi32, #tpu.memory_space<vmem>> -> memref<40xi32, #tpu.memory_space<vmem>>
    %dma_start3A_13 = arith.constant 0 : i32
    %dma_start3A_14 = arith.constant 0 : i32
    %dma_start3A_15 = tpu.memref_slice %arg5[%dma_start3A_13, %dma_start3A_14] : memref<10240x16xf32, #tpu.memory_space<hbm>> -> memref<10240x16xf32, #tpu.memory_space<hbm>>
    tpu.enqueue_indirect_dma source(%dma_start3A_15 : memref<10240x16xf32, #tpu.memory_space<hbm>>) target(%arg13 : memref<40x16xf32, #tpu.memory_space<vmem>>) offsets(%dma_start3A_12 : memref<40xi32, #tpu.memory_space<vmem>>) semaphore(%arg20 : memref<!tpu.dma_semaphore, #tpu.memory_space<semaphore_mem>>)
    %dma_start3A_16 = arith.constant 0 : i32
    %dma_start3A_17 = arith.constant 0 : i32
    %dma_start3A_18 = tpu.memref_slice %arg9[%dma_start3A_16, %dma_start3A_17] : memref<250x40xi32, #tpu.memory_space<vmem>> -> memref<1x40xi32, #tpu.memory_space<vmem>>
    %dma_start3A_19 = tpu.memref_squeeze %dma_start3A_18 : memref<1x40xi32, #tpu.memory_space<vmem>> -> memref<40xi32, #tpu.memory_space<vmem>>
    %dma_start3A_20 = arith.constant 0 : i32
    %dma_start3A_21 = arith.constant 0 : i32
    %dma_start3A_22 = tpu.memref_slice %arg6[%dma_start3A_20, %dma_start3A_21] : memref<10240x144xf32, #tpu.memory_space<hbm>> -> memref<10240x144xf32, #tpu.memory_space<hbm>>
    tpu.enqueue_indirect_dma source(%dma_start3A_22 : memref<10240x144xf32, #tpu.memory_space<hbm>>) target(%arg15 : memref<40x144xf32, #tpu.memory_space<vmem>>) offsets(%dma_start3A_19 : memref<40xi32, #tpu.memory_space<vmem>>) semaphore(%arg22 : memref<!tpu.dma_semaphore, #tpu.memory_space<semaphore_mem>>)
    %scan3A = arith.constant 0 : i32
    %scan3A_23 = arith.constant 0 : i32
    %scan3A_24 = arith.constant 125 : i32
    %scan3A_25 = arith.addi %scan3A_23, %scan3A_24 : i32
    %scan3A_26 = arith.constant 1 : i32
    scf.for %scan3A_46 = %scan3A_23 to %scan3A_25 step %scan3A_26  : i32 {
      %mul3A_47 = arith.constant 2 : i32
      %mul3A_48 = arith.muli %mul3A_47, %scan3A_46 : i32
      %add3A_49 = arith.constant 0 : i32
      %add3A_50 = arith.addi %mul3A_48, %add3A_49 : i32
      %add3A_51 = arith.constant 1 : i32
      %add3A_52 = arith.addi %add3A_50, %add3A_51 : i32
      %lt3A = arith.constant 250 : i32
      %lt3A_53 = arith.cmpi slt, %add3A_52, %lt3A : i32
      %convert_element_type3A = arith.extui %lt3A_53 : i1 to i32
      %cond3A = arith.constant 0 : i32
      %cond3A_54 = arith.cmpi ne, %convert_element_type3A, %cond3A : i32
      scf.if %cond3A_54 {
        %add3A_126 = arith.constant 1 : i32
        %add3A_127 = arith.addi %add3A_50, %add3A_126 : i32
        %ge3A = arith.constant 2 : i32
        %ge3A_128 = arith.cmpi sge, %add3A_127, %ge3A : i32
        %convert_element_type3A_129 = arith.extui %ge3A_128 : i1 to i32
        %cond3A_130 = arith.constant 0 : i32
        %cond3A_131 = arith.cmpi ne, %convert_element_type3A_129, %cond3A_130 : i32
        scf.if %cond3A_131 {
          %dma_wait3A_152 = arith.constant 0 : i32
          %dma_wait3A_153 = tpu.memref_slice %arg10[%add3A_50, %dma_wait3A_152] : memref<250x40xi32, #tpu.memory_space<vmem>> -> memref<1x40xi32, #tpu.memory_space<vmem>>
          %dma_wait3A_154 = tpu.memref_squeeze %dma_wait3A_153 : memref<1x40xi32, #tpu.memory_space<vmem>> -> memref<40xi32, #tpu.memory_space<vmem>>
          %dma_wait3A_155 = arith.constant 0 : i32
          %dma_wait3A_156 = arith.constant 0 : i32
          %dma_wait3A_157 = tpu.memref_slice %arg17[%dma_wait3A_155, %dma_wait3A_156] : memref<10240x144xf32, #tpu.memory_space<vmem_shared>> -> memref<10240x144xf32, #tpu.memory_space<vmem_shared>>
          tpu.wait_indirect_dma semaphore(%arg25 : memref<!tpu.dma_semaphore, #tpu.memory_space<semaphore_mem>>) src(%arg16 : memref<40x144xf32, #tpu.memory_space<vmem>>) dst(%dma_wait3A_157 : memref<10240x144xf32, #tpu.memory_space<vmem_shared>>)
        } else {
        }
        %add3A_132 = arith.constant 1 : i32
        %add3A_133 = arith.addi %add3A_50, %add3A_132 : i32
        %dma_start3A_134 = arith.constant 0 : i32
        %dma_start3A_135 = tpu.memref_slice %arg10[%add3A_133, %dma_start3A_134] : memref<250x40xi32, #tpu.memory_space<vmem>> -> memref<1x40xi32, #tpu.memory_space<vmem>>
        %dma_start3A_136 = tpu.memref_squeeze %dma_start3A_135 : memref<1x40xi32, #tpu.memory_space<vmem>> -> memref<40xi32, #tpu.memory_space<vmem>>
        %dma_start3A_137 = arith.constant 0 : i32
        %dma_start3A_138 = arith.constant 0 : i32
        %dma_start3A_139 = tpu.memref_slice %arg4[%dma_start3A_137, %dma_start3A_138] : memref<10240x16xf32, #tpu.memory_space<hbm>> -> memref<10240x16xf32, #tpu.memory_space<hbm>>
        tpu.enqueue_indirect_dma source(%dma_start3A_139 : memref<10240x16xf32, #tpu.memory_space<hbm>>) target(%arg12 : memref<40x16xf32, #tpu.memory_space<vmem>>) offsets(%dma_start3A_136 : memref<40xi32, #tpu.memory_space<vmem>>) semaphore(%arg19 : memref<!tpu.dma_semaphore, #tpu.memory_space<semaphore_mem>>)
        %dma_start3A_140 = arith.constant 0 : i32
        %dma_start3A_141 = tpu.memref_slice %arg9[%add3A_133, %dma_start3A_140] : memref<250x40xi32, #tpu.memory_space<vmem>> -> memref<1x40xi32, #tpu.memory_space<vmem>>
        %dma_start3A_142 = tpu.memref_squeeze %dma_start3A_141 : memref<1x40xi32, #tpu.memory_space<vmem>> -> memref<40xi32, #tpu.memory_space<vmem>>
        %dma_start3A_143 = arith.constant 0 : i32
        %dma_start3A_144 = arith.constant 0 : i32
        %dma_start3A_145 = tpu.memref_slice %arg5[%dma_start3A_143, %dma_start3A_144] : memref<10240x16xf32, #tpu.memory_space<hbm>> -> memref<10240x16xf32, #tpu.memory_space<hbm>>
        tpu.enqueue_indirect_dma source(%dma_start3A_145 : memref<10240x16xf32, #tpu.memory_space<hbm>>) target(%arg14 : memref<40x16xf32, #tpu.memory_space<vmem>>) offsets(%dma_start3A_142 : memref<40xi32, #tpu.memory_space<vmem>>) semaphore(%arg21 : memref<!tpu.dma_semaphore, #tpu.memory_space<semaphore_mem>>)
        %dma_start3A_146 = arith.constant 0 : i32
        %dma_start3A_147 = tpu.memref_slice %arg9[%add3A_133, %dma_start3A_146] : memref<250x40xi32, #tpu.memory_space<vmem>> -> memref<1x40xi32, #tpu.memory_space<vmem>>
        %dma_start3A_148 = tpu.memref_squeeze %dma_start3A_147 : memref<1x40xi32, #tpu.memory_space<vmem>> -> memref<40xi32, #tpu.memory_space<vmem>>
        %dma_start3A_149 = arith.constant 0 : i32
        %dma_start3A_150 = arith.constant 0 : i32
        %dma_start3A_151 = tpu.memref_slice %arg6[%dma_start3A_149, %dma_start3A_150] : memref<10240x144xf32, #tpu.memory_space<hbm>> -> memref<10240x144xf32, #tpu.memory_space<hbm>>
        tpu.enqueue_indirect_dma source(%dma_start3A_151 : memref<10240x144xf32, #tpu.memory_space<hbm>>) target(%arg16 : memref<40x144xf32, #tpu.memory_space<vmem>>) offsets(%dma_start3A_148 : memref<40xi32, #tpu.memory_space<vmem>>) semaphore(%arg23 : memref<!tpu.dma_semaphore, #tpu.memory_space<semaphore_mem>>)
      } else {
      }
      %dma_wait3A_55 = arith.constant 0 : i32
      %dma_wait3A_56 = tpu.memref_slice %arg10[%add3A_50, %dma_wait3A_55] : memref<250x40xi32, #tpu.memory_space<vmem>> -> memref<1x40xi32, #tpu.memory_space<vmem>>
      %dma_wait3A_57 = tpu.memref_squeeze %dma_wait3A_56 : memref<1x40xi32, #tpu.memory_space<vmem>> -> memref<40xi32, #tpu.memory_space<vmem>>
      %dma_wait3A_58 = arith.constant 0 : i32
      %dma_wait3A_59 = arith.constant 0 : i32
      %dma_wait3A_60 = tpu.memref_slice %arg4[%dma_wait3A_58, %dma_wait3A_59] : memref<10240x16xf32, #tpu.memory_space<hbm>> -> memref<10240x16xf32, #tpu.memory_space<hbm>>
      tpu.wait_indirect_dma semaphore(%arg18 : memref<!tpu.dma_semaphore, #tpu.memory_space<semaphore_mem>>) src(%dma_wait3A_60 : memref<10240x16xf32, #tpu.memory_space<hbm>>) dst(%arg11 : memref<40x16xf32, #tpu.memory_space<vmem>>)
      %dma_wait3A_61 = arith.constant 0 : i32
      %dma_wait3A_62 = tpu.memref_slice %arg9[%add3A_50, %dma_wait3A_61] : memref<250x40xi32, #tpu.memory_space<vmem>> -> memref<1x40xi32, #tpu.memory_space<vmem>>
      %dma_wait3A_63 = tpu.memref_squeeze %dma_wait3A_62 : memref<1x40xi32, #tpu.memory_space<vmem>> -> memref<40xi32, #tpu.memory_space<vmem>>
      %dma_wait3A_64 = arith.constant 0 : i32
      %dma_wait3A_65 = arith.constant 0 : i32
      %dma_wait3A_66 = tpu.memref_slice %arg5[%dma_wait3A_64, %dma_wait3A_65] : memref<10240x16xf32, #tpu.memory_space<hbm>> -> memref<10240x16xf32, #tpu.memory_space<hbm>>
      tpu.wait_indirect_dma semaphore(%arg20 : memref<!tpu.dma_semaphore, #tpu.memory_space<semaphore_mem>>) src(%dma_wait3A_66 : memref<10240x16xf32, #tpu.memory_space<hbm>>) dst(%arg13 : memref<40x16xf32, #tpu.memory_space<vmem>>)
      %dma_wait3A_67 = arith.constant 0 : i32
      %dma_wait3A_68 = tpu.memref_slice %arg9[%add3A_50, %dma_wait3A_67] : memref<250x40xi32, #tpu.memory_space<vmem>> -> memref<1x40xi32, #tpu.memory_space<vmem>>
      %dma_wait3A_69 = tpu.memref_squeeze %dma_wait3A_68 : memref<1x40xi32, #tpu.memory_space<vmem>> -> memref<40xi32, #tpu.memory_space<vmem>>
      %dma_wait3A_70 = arith.constant 0 : i32
      %dma_wait3A_71 = arith.constant 0 : i32
      %dma_wait3A_72 = tpu.memref_slice %arg6[%dma_wait3A_70, %dma_wait3A_71] : memref<10240x144xf32, #tpu.memory_space<hbm>> -> memref<10240x144xf32, #tpu.memory_space<hbm>>
      tpu.wait_indirect_dma semaphore(%arg22 : memref<!tpu.dma_semaphore, #tpu.memory_space<semaphore_mem>>) src(%dma_wait3A_72 : memref<10240x144xf32, #tpu.memory_space<hbm>>) dst(%arg15 : memref<40x144xf32, #tpu.memory_space<vmem>>)
      %scan3A_73 = arith.constant 0 : i32
      %scan3A_74 = arith.constant 0 : i32
      %scan3A_75 = arith.constant 40 : i32
      %scan3A_76 = arith.addi %scan3A_74, %scan3A_75 : i32
      %scan3A_77 = arith.constant 2 : i32
      scf.for %scan3A_126 = %scan3A_74 to %scan3A_76 step %scan3A_77  : i32 {
        %get3A = arith.index_cast %scan3A_126 : i32 to index
        %get3A_127 = arith.constant 0 : index
        %get3A_128 = tpu.vector_load %arg11[%get3A, %get3A_127] {strides = array<i32>} : memref<40x16xf32, #tpu.memory_space<vmem>>, vector<1x16xf32>,
        %get3A_129 = vector.shape_cast %get3A_128 : vector<1x16xf32> to vector<16xf32>
        %get3A_130 = arith.index_cast %scan3A_126 : i32 to index
        %get3A_131 = arith.constant 0 : index
        %get3A_132 = tpu.vector_load %arg13[%get3A_130, %get3A_131] {strides = array<i32>} : memref<40x16xf32, #tpu.memory_space<vmem>>, vector<1x16xf32>,
        %get3A_133 = vector.shape_cast %get3A_132 : vector<1x16xf32> to vector<16xf32>
        %add3A_134 = arith.addf %get3A_129, %get3A_133 : vector<16xf32>
        %mul3A_135 = arith.constant 2.000000e-01 : f32
        %mul3A_136 = vector.broadcast %mul3A_135 : f32 to vector<16xf32>
        %mul3A_137 = arith.mulf %mul3A_136, %add3A_134 : vector<16xf32>
        %max3A = arith.maximumf %add3A_134, %mul3A_137 : vector<16xf32>
        %exp3A = math.exp %max3A : vector<16xf32>
        %get3A_138 = arith.index_cast %scan3A_126 : i32 to index
        %get3A_139 = arith.constant 0 : index
        %get3A_140 = tpu.vector_load %arg15[%get3A_138, %get3A_139] {strides = array<i32>} : memref<40x144xf32, #tpu.memory_space<vmem>>, vector<1x16xf32>,
        %get3A_141 = vector.shape_cast %get3A_140 : vector<1x16xf32> to vector<16xf32>
        %mul3A_142 = arith.mulf %get3A_141, %exp3A : vector<16xf32>
        %swap3A = arith.index_cast %scan3A_126 : i32 to index
        %swap3A_143 = arith.constant 0 : index
        %swap3A_144 = tpu.vector_load %arg15[%swap3A, %swap3A_143] {strides = array<i32>} : memref<40x144xf32, #tpu.memory_space<vmem>>, vector<1x16xf32>,
        %swap3A_145 = vector.shape_cast %swap3A_144 : vector<1x16xf32> to vector<16xf32>
        %swap3A_146 = vector.shape_cast %mul3A_142 : vector<16xf32> to vector<1x16xf32>
        tpu.vector_store %arg15[%swap3A, %swap3A_143], %swap3A_146 {strides = array<i32>} : memref<40x144xf32, #tpu.memory_space<vmem>>, vector<1x16xf32>,
        %get3A_147 = arith.index_cast %scan3A_126 : i32 to index
        %get3A_148 = arith.constant 16 : index
        %get3A_149 = tpu.vector_load %arg15[%get3A_147, %get3A_148] {strides = array<i32>} : memref<40x144xf32, #tpu.memory_space<vmem>>, vector<1x16xf32>,
        %get3A_150 = vector.shape_cast %get3A_149 : vector<1x16xf32> to vector<16xf32>
        %slice3A = vector.extract_strided_slice %exp3A {offsets = [0], sizes = [1], strides = [1]} : vector<16xf32> to vector<1xf32>
        %squeeze3A = vector.extract %slice3A[0] : f32 from vector<1xf32>
        %mul3A_151 = vector.broadcast %squeeze3A : f32 to vector<16xf32>
        %mul3A_152 = arith.mulf %get3A_150, %mul3A_151 : vector<16xf32>
        %swap3A_153 = arith.index_cast %scan3A_126 : i32 to index
        %swap3A_154 = arith.constant 16 : index
        %swap3A_155 = tpu.vector_load %arg15[%swap3A_153, %swap3A_154] {strides = array<i32>} : memref<40x144xf32, #tpu.memory_space<vmem>>, vector<1x16xf32>,
        %swap3A_156 = vector.shape_cast %swap3A_155 : vector<1x16xf32> to vector<16xf32>
        %swap3A_157 = vector.shape_cast %mul3A_152 : vector<16xf32> to vector<1x16xf32>
        tpu.vector_store %arg15[%swap3A_153, %swap3A_154], %swap3A_157 {strides = array<i32>} : memref<40x144xf32, #tpu.memory_space<vmem>>, vector<1x16xf32>,
        %get3A_158 = arith.index_cast %scan3A_126 : i32 to index
        %get3A_159 = arith.constant 32 : index
        %get3A_160 = tpu.vector_load %arg15[%get3A_158, %get3A_159] {strides = array<i32>} : memref<40x144xf32, #tpu.memory_space<vmem>>, vector<1x16xf32>,
        %get3A_161 = vector.shape_cast %get3A_160 : vector<1x16xf32> to vector<16xf32>
        %slice3A_162 = vector.extract_strided_slice %exp3A {offsets = [1], sizes = [1], strides = [1]} : vector<16xf32> to vector<1xf32>
        %squeeze3A_163 = vector.extract %slice3A_162[0] : f32 from vector<1xf32>
        %mul3A_164 = vector.broadcast %squeeze3A_163 : f32 to vector<16xf32>
        %mul3A_165 = arith.mulf %get3A_161, %mul3A_164 : vector<16xf32>
        %swap3A_166 = arith.index_cast %scan3A_126 : i32 to index
        %swap3A_167 = arith.constant 32 : index
        %swap3A_168 = tpu.vector_load %arg15[%swap3A_166, %swap3A_167] {strides = array<i32>} : memref<40x144xf32, #tpu.memory_space<vmem>>, vector<1x16xf32>,
        %swap3A_169 = vector.shape_cast %swap3A_168 : vector<1x16xf32> to vector<16xf32>
        %swap3A_170 = vector.shape_cast %mul3A_165 : vector<16xf32> to vector<1x16xf32>
        tpu.vector_store %arg15[%swap3A_166, %swap3A_167], %swap3A_170 {strides = array<i32>} : memref<40x144xf32, #tpu.memory_space<vmem>>, vector<1x16xf32>,
        %get3A_171 = arith.index_cast %scan3A_126 : i32 to index
        %get3A_172 = arith.constant 48 : index
        %get3A_173 = tpu.vector_load %arg15[%get3A_171, %get3A_172] {strides = array<i32>} : memref<40x144xf32, #tpu.memory_space<vmem>>, vector<1x16xf32>,
        %get3A_174 = vector.shape_cast %get3A_173 : vector<1x16xf32> to vector<16xf32>
        %slice3A_175 = vector.extract_strided_slice %exp3A {offsets = [2], sizes = [1], strides = [1]} : vector<16xf32> to vector<1xf32>
        %squeeze3A_176 = vector.extract %slice3A_175[0] : f32 from vector<1xf32>
        %mul3A_177 = vector.broadcast %squeeze3A_176 : f32 to vector<16xf32>
        %mul3A_178 = arith.mulf %get3A_174, %mul3A_177 : vector<16xf32>
        %swap3A_179 = arith.index_cast %scan3A_126 : i32 to index
        %swap3A_180 = arith.constant 48 : index
        %swap3A_181 = tpu.vector_load %arg15[%swap3A_179, %swap3A_180] {strides = array<i32>} : memref<40x144xf32, #tpu.memory_space<vmem>>, vector<1x16xf32>,
        %swap3A_182 = vector.shape_cast %swap3A_181 : vector<1x16xf32> to vector<16xf32>
        %swap3A_183 = vector.shape_cast %mul3A_178 : vector<16xf32> to vector<1x16xf32>
        tpu.vector_store %arg15[%swap3A_179, %swap3A_180], %swap3A_183 {strides = array<i32>} : memref<40x144xf32, #tpu.memory_space<vmem>>, vector<1x16xf32>,
        %get3A_184 = arith.index_cast %scan3A_126 : i32 to index
        %get3A_185 = arith.constant 64 : index
        %get3A_186 = tpu.vector_load %arg15[%get3A_184, %get3A_185] {strides = array<i32>} : memref<40x144xf32, #tpu.memory_space<vmem>>, vector<1x16xf32>,
        %get3A_187 = vector.shape_cast %get3A_186 : vector<1x16xf32> to vector<16xf32>
        %slice3A_188 = vector.extract_strided_slice %exp3A {offsets = [3], sizes = [1], strides = [1]} : vector<16xf32> to vector<1xf32>
        %squeeze3A_189 = vector.extract %slice3A_188[0] : f32 from vector<1xf32>
        %mul3A_190 = vector.broadcast %squeeze3A_189 : f32 to vector<16xf32>
        %mul3A_191 = arith.mulf %get3A_187, %mul3A_190 : vector<16xf32>
        %swap3A_192 = arith.index_cast %scan3A_126 : i32 to index
        %swap3A_193 = arith.constant 64 : index
        %swap3A_194 = tpu.vector_load %arg15[%swap3A_192, %swap3A_193] {strides = array<i32>} : memref<40x144xf32, #tpu.memory_space<vmem>>, vector<1x16xf32>,
        %swap3A_195 = vector.shape_cast %swap3A_194 : vector<1x16xf32> to vector<16xf32>
        %swap3A_196 = vector.shape_cast %mul3A_191 : vector<16xf32> to vector<1x16xf32>
        tpu.vector_store %arg15[%swap3A_192, %swap3A_193], %swap3A_196 {strides = array<i32>} : memref<40x144xf32, #tpu.memory_space<vmem>>, vector<1x16xf32>,
        %get3A_197 = arith.index_cast %scan3A_126 : i32 to index
        %get3A_198 = arith.constant 80 : index
        %get3A_199 = tpu.vector_load %arg15[%get3A_197, %get3A_198] {strides = array<i32>} : memref<40x144xf32, #tpu.memory_space<vmem>>, vector<1x16xf32>,
        %get3A_200 = vector.shape_cast %get3A_199 : vector<1x16xf32> to vector<16xf32>
        %slice3A_201 = vector.extract_strided_slice %exp3A {offsets = [4], sizes = [1], strides = [1]} : vector<16xf32> to vector<1xf32>
        %squeeze3A_202 = vector.extract %slice3A_201[0] : f32 from vector<1xf32>
        %mul3A_203 = vector.broadcast %squeeze3A_202 : f32 to vector<16xf32>
        %mul3A_204 = arith.mulf %get3A_200, %mul3A_203 : vector<16xf32>
        %swap3A_205 = arith.index_cast %scan3A_126 : i32 to index
        %swap3A_206 = arith.constant 80 : index
        %swap3A_207 = tpu.vector_load %arg15[%swap3A_205, %swap3A_206] {strides = array<i32>} : memref<40x144xf32, #tpu.memory_space<vmem>>, vector<1x16xf32>,
        %swap3A_208 = vector.shape_cast %swap3A_207 : vector<1x16xf32> to vector<16xf32>
        %swap3A_209 = vector.shape_cast %mul3A_204 : vector<16xf32> to vector<1x16xf32>
        tpu.vector_store %arg15[%swap3A_205, %swap3A_206], %swap3A_209 {strides = array<i32>} : memref<40x144xf32, #tpu.memory_space<vmem>>, vector<1x16xf32>,
        %get3A_210 = arith.index_cast %scan3A_126 : i32 to index
        %get3A_211 = arith.constant 96 : index
        %get3A_212 = tpu.vector_load %arg15[%get3A_210, %get3A_211] {strides = array<i32>} : memref<40x144xf32, #tpu.memory_space<vmem>>, vector<1x16xf32>,
        %get3A_213 = vector.shape_cast %get3A_212 : vector<1x16xf32> to vector<16xf32>
        %slice3A_214 = vector.extract_strided_slice %exp3A {offsets = [5], sizes = [1], strides = [1]} : vector<16xf32> to vector<1xf32>
        %squeeze3A_215 = vector.extract %slice3A_214[0] : f32 from vector<1xf32>
        %mul3A_216 = vector.broadcast %squeeze3A_215 : f32 to vector<16xf32>
        %mul3A_217 = arith.mulf %get3A_213, %mul3A_216 : vector<16xf32>
        %swap3A_218 = arith.index_cast %scan3A_126 : i32 to index
        %swap3A_219 = arith.constant 96 : index
        %swap3A_220 = tpu.vector_load %arg15[%swap3A_218, %swap3A_219] {strides = array<i32>} : memref<40x144xf32, #tpu.memory_space<vmem>>, vector<1x16xf32>,
        %swap3A_221 = vector.shape_cast %swap3A_220 : vector<1x16xf32> to vector<16xf32>
        %swap3A_222 = vector.shape_cast %mul3A_217 : vector<16xf32> to vector<1x16xf32>
        tpu.vector_store %arg15[%swap3A_218, %swap3A_219], %swap3A_222 {strides = array<i32>} : memref<40x144xf32, #tpu.memory_space<vmem>>, vector<1x16xf32>,
        %get3A_223 = arith.index_cast %scan3A_126 : i32 to index
        %get3A_224 = arith.constant 112 : index
        %get3A_225 = tpu.vector_load %arg15[%get3A_223, %get3A_224] {strides = array<i32>} : memref<40x144xf32, #tpu.memory_space<vmem>>, vector<1x16xf32>,
        %get3A_226 = vector.shape_cast %get3A_225 : vector<1x16xf32> to vector<16xf32>
        %slice3A_227 = vector.extract_strided_slice %exp3A {offsets = [6], sizes = [1], strides = [1]} : vector<16xf32> to vector<1xf32>
        %squeeze3A_228 = vector.extract %slice3A_227[0] : f32 from vector<1xf32>
        %mul3A_229 = vector.broadcast %squeeze3A_228 : f32 to vector<16xf32>
        %mul3A_230 = arith.mulf %get3A_226, %mul3A_229 : vector<16xf32>
        %swap3A_231 = arith.index_cast %scan3A_126 : i32 to index
        %swap3A_232 = arith.constant 112 : index
        %swap3A_233 = tpu.vector_load %arg15[%swap3A_231, %swap3A_232] {strides = array<i32>} : memref<40x144xf32, #tpu.memory_space<vmem>>, vector<1x16xf32>,
        %swap3A_234 = vector.shape_cast %swap3A_233 : vector<1x16xf32> to vector<16xf32>
        %swap3A_235 = vector.shape_cast %mul3A_230 : vector<16xf32> to vector<1x16xf32>
        tpu.vector_store %arg15[%swap3A_231, %swap3A_232], %swap3A_235 {strides = array<i32>} : memref<40x144xf32, #tpu.memory_space<vmem>>, vector<1x16xf32>,
        %get3A_236 = arith.index_cast %scan3A_126 : i32 to index
        %get3A_237 = arith.constant 128 : index
        %get3A_238 = tpu.vector_load %arg15[%get3A_236, %get3A_237] {strides = array<i32>} : memref<40x144xf32, #tpu.memory_space<vmem>>, vector<1x16xf32>,
        %get3A_239 = vector.shape_cast %get3A_238 : vector<1x16xf32> to vector<16xf32>
        %slice3A_240 = vector.extract_strided_slice %exp3A {offsets = [7], sizes = [1], strides = [1]} : vector<16xf32> to vector<1xf32>
        %squeeze3A_241 = vector.extract %slice3A_240[0] : f32 from vector<1xf32>
        %mul3A_242 = vector.broadcast %squeeze3A_241 : f32 to vector<16xf32>
        %mul3A_243 = arith.mulf %get3A_239, %mul3A_242 : vector<16xf32>
        %swap3A_244 = arith.index_cast %scan3A_126 : i32 to index
        %swap3A_245 = arith.constant 128 : index
        %swap3A_246 = tpu.vector_load %arg15[%swap3A_244, %swap3A_245] {strides = array<i32>} : memref<40x144xf32, #tpu.memory_space<vmem>>, vector<1x16xf32>,
        %swap3A_247 = vector.shape_cast %swap3A_246 : vector<1x16xf32> to vector<16xf32>
        %swap3A_248 = vector.shape_cast %mul3A_243 : vector<16xf32> to vector<1x16xf32>
        tpu.vector_store %arg15[%swap3A_244, %swap3A_245], %swap3A_248 {strides = array<i32>} : memref<40x144xf32, #tpu.memory_space<vmem>>, vector<1x16xf32>,
        %scan3A_249 = arith.constant 1 : i32
        %scan3A_250 = arith.addi %scan3A_126, %scan3A_249 : i32
        %get3A_251 = arith.index_cast %scan3A_250 : i32 to index
        %get3A_252 = arith.constant 0 : index
        %get3A_253 = tpu.vector_load %arg11[%get3A_251, %get3A_252] {strides = array<i32>} : memref<40x16xf32, #tpu.memory_space<vmem>>, vector<1x16xf32>,
        %get3A_254 = vector.shape_cast %get3A_253 : vector<1x16xf32> to vector<16xf32>
        %get3A_255 = arith.index_cast %scan3A_250 : i32 to index
        %get3A_256 = arith.constant 0 : index
        %get3A_257 = tpu.vector_load %arg13[%get3A_255, %get3A_256] {strides = array<i32>} : memref<40x16xf32, #tpu.memory_space<vmem>>, vector<1x16xf32>,
        %get3A_258 = vector.shape_cast %get3A_257 : vector<1x16xf32> to vector<16xf32>
        %add3A_259 = arith.addf %get3A_254, %get3A_258 : vector<16xf32>
        %mul3A_260 = arith.constant 2.000000e-01 : f32
        %mul3A_261 = vector.broadcast %mul3A_260 : f32 to vector<16xf32>
        %mul3A_262 = arith.mulf %mul3A_261, %add3A_259 : vector<16xf32>
        %max3A_263 = arith.maximumf %add3A_259, %mul3A_262 : vector<16xf32>
        %exp3A_264 = math.exp %max3A_263 : vector<16xf32>
        %get3A_265 = arith.index_cast %scan3A_250 : i32 to index
        %get3A_266 = arith.constant 0 : index
        %get3A_267 = tpu.vector_load %arg15[%get3A_265, %get3A_266] {strides = array<i32>} : memref<40x144xf32, #tpu.memory_space<vmem>>, vector<1x16xf32>,
        %get3A_268 = vector.shape_cast %get3A_267 : vector<1x16xf32> to vector<16xf32>
        %mul3A_269 = arith.mulf %get3A_268, %exp3A_264 : vector<16xf32>
        %swap3A_270 = arith.index_cast %scan3A_250 : i32 to index
        %swap3A_271 = arith.constant 0 : index
        %swap3A_272 = tpu.vector_load %arg15[%swap3A_270, %swap3A_271] {strides = array<i32>} : memref<40x144xf32, #tpu.memory_space<vmem>>, vector<1x16xf32>,
        %swap3A_273 = vector.shape_cast %swap3A_272 : vector<1x16xf32> to vector<16xf32>
        %swap3A_274 = vector.shape_cast %mul3A_269 : vector<16xf32> to vector<1x16xf32>
        tpu.vector_store %arg15[%swap3A_270, %swap3A_271], %swap3A_274 {strides = array<i32>} : memref<40x144xf32, #tpu.memory_space<vmem>>, vector<1x16xf32>,
        %get3A_275 = arith.index_cast %scan3A_250 : i32 to index
        %get3A_276 = arith.constant 16 : index
        %get3A_277 = tpu.vector_load %arg15[%get3A_275, %get3A_276] {strides = array<i32>} : memref<40x144xf32, #tpu.memory_space<vmem>>, vector<1x16xf32>,
        %get3A_278 = vector.shape_cast %get3A_277 : vector<1x16xf32> to vector<16xf32>
        %slice3A_279 = vector.extract_strided_slice %exp3A_264 {offsets = [0], sizes = [1], strides = [1]} : vector<16xf32> to vector<1xf32>
        %squeeze3A_280 = vector.extract %slice3A_279[0] : f32 from vector<1xf32>
        %mul3A_281 = vector.broadcast %squeeze3A_280 : f32 to vector<16xf32>
        %mul3A_282 = arith.mulf %get3A_278, %mul3A_281 : vector<16xf32>
        %swap3A_283 = arith.index_cast %scan3A_250 : i32 to index
        %swap3A_284 = arith.constant 16 : index
        %swap3A_285 = tpu.vector_load %arg15[%swap3A_283, %swap3A_284] {strides = array<i32>} : memref<40x144xf32, #tpu.memory_space<vmem>>, vector<1x16xf32>,
        %swap3A_286 = vector.shape_cast %swap3A_285 : vector<1x16xf32> to vector<16xf32>
        %swap3A_287 = vector.shape_cast %mul3A_282 : vector<16xf32> to vector<1x16xf32>
        tpu.vector_store %arg15[%swap3A_283, %swap3A_284], %swap3A_287 {strides = array<i32>} : memref<40x144xf32, #tpu.memory_space<vmem>>, vector<1x16xf32>,
        %get3A_288 = arith.index_cast %scan3A_250 : i32 to index
        %get3A_289 = arith.constant 32 : index
        %get3A_290 = tpu.vector_load %arg15[%get3A_288, %get3A_289] {strides = array<i32>} : memref<40x144xf32, #tpu.memory_space<vmem>>, vector<1x16xf32>,
        %get3A_291 = vector.shape_cast %get3A_290 : vector<1x16xf32> to vector<16xf32>
        %slice3A_292 = vector.extract_strided_slice %exp3A_264 {offsets = [1], sizes = [1], strides = [1]} : vector<16xf32> to vector<1xf32>
        %squeeze3A_293 = vector.extract %slice3A_292[0] : f32 from vector<1xf32>
        %mul3A_294 = vector.broadcast %squeeze3A_293 : f32 to vector<16xf32>
        %mul3A_295 = arith.mulf %get3A_291, %mul3A_294 : vector<16xf32>
        %swap3A_296 = arith.index_cast %scan3A_250 : i32 to index
        %swap3A_297 = arith.constant 32 : index
        %swap3A_298 = tpu.vector_load %arg15[%swap3A_296, %swap3A_297] {strides = array<i32>} : memref<40x144xf32, #tpu.memory_space<vmem>>, vector<1x16xf32>,
        %swap3A_299 = vector.shape_cast %swap3A_298 : vector<1x16xf32> to vector<16xf32>
        %swap3A_300 = vector.shape_cast %mul3A_295 : vector<16xf32> to vector<1x16xf32>
        tpu.vector_store %arg15[%swap3A_296, %swap3A_297], %swap3A_300 {strides = array<i32>} : memref<40x144xf32, #tpu.memory_space<vmem>>, vector<1x16xf32>,
        %get3A_301 = arith.index_cast %scan3A_250 : i32 to index
        %get3A_302 = arith.constant 48 : index
        %get3A_303 = tpu.vector_load %arg15[%get3A_301, %get3A_302] {strides = array<i32>} : memref<40x144xf32, #tpu.memory_space<vmem>>, vector<1x16xf32>,
        %get3A_304 = vector.shape_cast %get3A_303 : vector<1x16xf32> to vector<16xf32>
        %slice3A_305 = vector.extract_strided_slice %exp3A_264 {offsets = [2], sizes = [1], strides = [1]} : vector<16xf32> to vector<1xf32>
        %squeeze3A_306 = vector.extract %slice3A_305[0] : f32 from vector<1xf32>
        %mul3A_307 = vector.broadcast %squeeze3A_306 : f32 to vector<16xf32>
        %mul3A_308 = arith.mulf %get3A_304, %mul3A_307 : vector<16xf32>
        %swap3A_309 = arith.index_cast %scan3A_250 : i32 to index
        %swap3A_310 = arith.constant 48 : index
        %swap3A_311 = tpu.vector_load %arg15[%swap3A_309, %swap3A_310] {strides = array<i32>} : memref<40x144xf32, #tpu.memory_space<vmem>>, vector<1x16xf32>,
        %swap3A_312 = vector.shape_cast %swap3A_311 : vector<1x16xf32> to vector<16xf32>
        %swap3A_313 = vector.shape_cast %mul3A_308 : vector<16xf32> to vector<1x16xf32>
        tpu.vector_store %arg15[%swap3A_309, %swap3A_310], %swap3A_313 {strides = array<i32>} : memref<40x144xf32, #tpu.memory_space<vmem>>, vector<1x16xf32>,
        %get3A_314 = arith.index_cast %scan3A_250 : i32 to index
        %get3A_315 = arith.constant 64 : index
        %get3A_316 = tpu.vector_load %arg15[%get3A_314, %get3A_315] {strides = array<i32>} : memref<40x144xf32, #tpu.memory_space<vmem>>, vector<1x16xf32>,
        %get3A_317 = vector.shape_cast %get3A_316 : vector<1x16xf32> to vector<16xf32>
        %slice3A_318 = vector.extract_strided_slice %exp3A_264 {offsets = [3], sizes = [1], strides = [1]} : vector<16xf32> to vector<1xf32>
        %squeeze3A_319 = vector.extract %slice3A_318[0] : f32 from vector<1xf32>
        %mul3A_320 = vector.broadcast %squeeze3A_319 : f32 to vector<16xf32>
        %mul3A_321 = arith.mulf %get3A_317, %mul3A_320 : vector<16xf32>
        %swap3A_322 = arith.index_cast %scan3A_250 : i32 to index
        %swap3A_323 = arith.constant 64 : index
        %swap3A_324 = tpu.vector_load %arg15[%swap3A_322, %swap3A_323] {strides = array<i32>} : memref<40x144xf32, #tpu.memory_space<vmem>>, vector<1x16xf32>,
        %swap3A_325 = vector.shape_cast %swap3A_324 : vector<1x16xf32> to vector<16xf32>
        %swap3A_326 = vector.shape_cast %mul3A_321 : vector<16xf32> to vector<1x16xf32>
        tpu.vector_store %arg15[%swap3A_322, %swap3A_323], %swap3A_326 {strides = array<i32>} : memref<40x144xf32, #tpu.memory_space<vmem>>, vector<1x16xf32>,
        %get3A_327 = arith.index_cast %scan3A_250 : i32 to index
        %get3A_328 = arith.constant 80 : index
        %get3A_329 = tpu.vector_load %arg15[%get3A_327, %get3A_328] {strides = array<i32>} : memref<40x144xf32, #tpu.memory_space<vmem>>, vector<1x16xf32>,
        %get3A_330 = vector.shape_cast %get3A_329 : vector<1x16xf32> to vector<16xf32>
        %slice3A_331 = vector.extract_strided_slice %exp3A_264 {offsets = [4], sizes = [1], strides = [1]} : vector<16xf32> to vector<1xf32>
        %squeeze3A_332 = vector.extract %slice3A_331[0] : f32 from vector<1xf32>
        %mul3A_333 = vector.broadcast %squeeze3A_332 : f32 to vector<16xf32>
        %mul3A_334 = arith.mulf %get3A_330, %mul3A_333 : vector<16xf32>
        %swap3A_335 = arith.index_cast %scan3A_250 : i32 to index
        %swap3A_336 = arith.constant 80 : index
        %swap3A_337 = tpu.vector_load %arg15[%swap3A_335, %swap3A_336] {strides = array<i32>} : memref<40x144xf32, #tpu.memory_space<vmem>>, vector<1x16xf32>,
        %swap3A_338 = vector.shape_cast %swap3A_337 : vector<1x16xf32> to vector<16xf32>
        %swap3A_339 = vector.shape_cast %mul3A_334 : vector<16xf32> to vector<1x16xf32>
        tpu.vector_store %arg15[%swap3A_335, %swap3A_336], %swap3A_339 {strides = array<i32>} : memref<40x144xf32, #tpu.memory_space<vmem>>, vector<1x16xf32>,
        %get3A_340 = arith.index_cast %scan3A_250 : i32 to index
        %get3A_341 = arith.constant 96 : index
        %get3A_342 = tpu.vector_load %arg15[%get3A_340, %get3A_341] {strides = array<i32>} : memref<40x144xf32, #tpu.memory_space<vmem>>, vector<1x16xf32>,
        %get3A_343 = vector.shape_cast %get3A_342 : vector<1x16xf32> to vector<16xf32>
        %slice3A_344 = vector.extract_strided_slice %exp3A_264 {offsets = [5], sizes = [1], strides = [1]} : vector<16xf32> to vector<1xf32>
        %squeeze3A_345 = vector.extract %slice3A_344[0] : f32 from vector<1xf32>
        %mul3A_346 = vector.broadcast %squeeze3A_345 : f32 to vector<16xf32>
        %mul3A_347 = arith.mulf %get3A_343, %mul3A_346 : vector<16xf32>
        %swap3A_348 = arith.index_cast %scan3A_250 : i32 to index
        %swap3A_349 = arith.constant 96 : index
        %swap3A_350 = tpu.vector_load %arg15[%swap3A_348, %swap3A_349] {strides = array<i32>} : memref<40x144xf32, #tpu.memory_space<vmem>>, vector<1x16xf32>,
        %swap3A_351 = vector.shape_cast %swap3A_350 : vector<1x16xf32> to vector<16xf32>
        %swap3A_352 = vector.shape_cast %mul3A_347 : vector<16xf32> to vector<1x16xf32>
        tpu.vector_store %arg15[%swap3A_348, %swap3A_349], %swap3A_352 {strides = array<i32>} : memref<40x144xf32, #tpu.memory_space<vmem>>, vector<1x16xf32>,
        %get3A_353 = arith.index_cast %scan3A_250 : i32 to index
        %get3A_354 = arith.constant 112 : index
        %get3A_355 = tpu.vector_load %arg15[%get3A_353, %get3A_354] {strides = array<i32>} : memref<40x144xf32, #tpu.memory_space<vmem>>, vector<1x16xf32>,
        %get3A_356 = vector.shape_cast %get3A_355 : vector<1x16xf32> to vector<16xf32>
        %slice3A_357 = vector.extract_strided_slice %exp3A_264 {offsets = [6], sizes = [1], strides = [1]} : vector<16xf32> to vector<1xf32>
        %squeeze3A_358 = vector.extract %slice3A_357[0] : f32 from vector<1xf32>
        %mul3A_359 = vector.broadcast %squeeze3A_358 : f32 to vector<16xf32>
        %mul3A_360 = arith.mulf %get3A_356, %mul3A_359 : vector<16xf32>
        %swap3A_361 = arith.index_cast %scan3A_250 : i32 to index
        %swap3A_362 = arith.constant 112 : index
        %swap3A_363 = tpu.vector_load %arg15[%swap3A_361, %swap3A_362] {strides = array<i32>} : memref<40x144xf32, #tpu.memory_space<vmem>>, vector<1x16xf32>,
        %swap3A_364 = vector.shape_cast %swap3A_363 : vector<1x16xf32> to vector<16xf32>
        %swap3A_365 = vector.shape_cast %mul3A_360 : vector<16xf32> to vector<1x16xf32>
        tpu.vector_store %arg15[%swap3A_361, %swap3A_362], %swap3A_365 {strides = array<i32>} : memref<40x144xf32, #tpu.memory_space<vmem>>, vector<1x16xf32>,
        %get3A_366 = arith.index_cast %scan3A_250 : i32 to index
        %get3A_367 = arith.constant 128 : index
        %get3A_368 = tpu.vector_load %arg15[%get3A_366, %get3A_367] {strides = array<i32>} : memref<40x144xf32, #tpu.memory_space<vmem>>, vector<1x16xf32>,
        %get3A_369 = vector.shape_cast %get3A_368 : vector<1x16xf32> to vector<16xf32>
        %slice3A_370 = vector.extract_strided_slice %exp3A_264 {offsets = [7], sizes = [1], strides = [1]} : vector<16xf32> to vector<1xf32>
        %squeeze3A_371 = vector.extract %slice3A_370[0] : f32 from vector<1xf32>
        %mul3A_372 = vector.broadcast %squeeze3A_371 : f32 to vector<16xf32>
        %mul3A_373 = arith.mulf %get3A_369, %mul3A_372 : vector<16xf32>
        %swap3A_374 = arith.index_cast %scan3A_250 : i32 to index
        %swap3A_375 = arith.constant 128 : index
        %swap3A_376 = tpu.vector_load %arg15[%swap3A_374, %swap3A_375] {strides = array<i32>} : memref<40x144xf32, #tpu.memory_space<vmem>>, vector<1x16xf32>,
        %swap3A_377 = vector.shape_cast %swap3A_376 : vector<1x16xf32> to vector<16xf32>
        %swap3A_378 = vector.shape_cast %mul3A_373 : vector<16xf32> to vector<1x16xf32>
        tpu.vector_store %arg15[%swap3A_374, %swap3A_375], %swap3A_378 {strides = array<i32>} : memref<40x144xf32, #tpu.memory_space<vmem>>, vector<1x16xf32>,
      }
      %scan3A_78 = arith.constant 40 : i32
      %dma_start3A_79 = arith.constant 0 : i32
      %dma_start3A_80 = tpu.memref_slice %arg10[%add3A_50, %dma_start3A_79] : memref<250x40xi32, #tpu.memory_space<vmem>> -> memref<1x40xi32, #tpu.memory_space<vmem>>
      %dma_start3A_81 = tpu.memref_squeeze %dma_start3A_80 : memref<1x40xi32, #tpu.memory_space<vmem>> -> memref<40xi32, #tpu.memory_space<vmem>>
      %dma_start3A_82 = arith.constant 0 : i32
      %dma_start3A_83 = arith.constant 0 : i32
      %dma_start3A_84 = tpu.memref_slice %arg17[%dma_start3A_82, %dma_start3A_83] : memref<10240x144xf32, #tpu.memory_space<vmem_shared>> -> memref<10240x144xf32, #tpu.memory_space<vmem_shared>>
      tpu.enqueue_indirect_dma source(%arg15 : memref<40x144xf32, #tpu.memory_space<vmem>>) target(%dma_start3A_84 : memref<10240x144xf32, #tpu.memory_space<vmem_shared>>) offsets(%dma_start3A_81 : memref<40xi32, #tpu.memory_space<vmem>>) semaphore(%arg24 : memref<!tpu.dma_semaphore, #tpu.memory_space<semaphore_mem>>) {add = true}
      %mul3A_85 = arith.constant 2 : i32
      %mul3A_86 = arith.muli %mul3A_85, %scan3A_46 : i32
      %add3A_87 = arith.constant 1 : i32
      %add3A_88 = arith.addi %mul3A_86, %add3A_87 : i32
      %add3A_89 = arith.constant 1 : i32
      %add3A_90 = arith.addi %add3A_88, %add3A_89 : i32
      %lt3A_91 = arith.constant 250 : i32
      %lt3A_92 = arith.cmpi slt, %add3A_90, %lt3A_91 : i32
      %convert_element_type3A_93 = arith.extui %lt3A_92 : i1 to i32
      %cond3A_94 = arith.constant 0 : i32
      %cond3A_95 = arith.cmpi ne, %convert_element_type3A_93, %cond3A_94 : i32
      scf.if %cond3A_95 {
        %add3A_126 = arith.constant 1 : i32
        %add3A_127 = arith.addi %add3A_88, %add3A_126 : i32
        %ge3A = arith.constant 2 : i32
        %ge3A_128 = arith.cmpi sge, %add3A_127, %ge3A : i32
        %convert_element_type3A_129 = arith.extui %ge3A_128 : i1 to i32
        %cond3A_130 = arith.constant 0 : i32
        %cond3A_131 = arith.cmpi ne, %convert_element_type3A_129, %cond3A_130 : i32
        scf.if %cond3A_131 {
          %dma_wait3A_152 = arith.constant 0 : i32
          %dma_wait3A_153 = tpu.memref_slice %arg10[%add3A_88, %dma_wait3A_152] : memref<250x40xi32, #tpu.memory_space<vmem>> -> memref<1x40xi32, #tpu.memory_space<vmem>>
          %dma_wait3A_154 = tpu.memref_squeeze %dma_wait3A_153 : memref<1x40xi32, #tpu.memory_space<vmem>> -> memref<40xi32, #tpu.memory_space<vmem>>
          %dma_wait3A_155 = arith.constant 0 : i32
          %dma_wait3A_156 = arith.constant 0 : i32
          %dma_wait3A_157 = tpu.memref_slice %arg17[%dma_wait3A_155, %dma_wait3A_156] : memref<10240x144xf32, #tpu.memory_space<vmem_shared>> -> memref<10240x144xf32, #tpu.memory_space<vmem_shared>>
          tpu.wait_indirect_dma semaphore(%arg24 : memref<!tpu.dma_semaphore, #tpu.memory_space<semaphore_mem>>) src(%arg15 : memref<40x144xf32, #tpu.memory_space<vmem>>) dst(%dma_wait3A_157 : memref<10240x144xf32, #tpu.memory_space<vmem_shared>>)
        } else {
        }
        %add3A_132 = arith.constant 1 : i32
        %add3A_133 = arith.addi %add3A_88, %add3A_132 : i32
        %dma_start3A_134 = arith.constant 0 : i32
        %dma_start3A_135 = tpu.memref_slice %arg10[%add3A_133, %dma_start3A_134] : memref<250x40xi32, #tpu.memory_space<vmem>> -> memref<1x40xi32, #tpu.memory_space<vmem>>
        %dma_start3A_136 = tpu.memref_squeeze %dma_start3A_135 : memref<1x40xi32, #tpu.memory_space<vmem>> -> memref<40xi32, #tpu.memory_space<vmem>>
        %dma_start3A_137 = arith.constant 0 : i32
        %dma_start3A_138 = arith.constant 0 : i32
        %dma_start3A_139 = tpu.memref_slice %arg4[%dma_start3A_137, %dma_start3A_138] : memref<10240x16xf32, #tpu.memory_space<hbm>> -> memref<10240x16xf32, #tpu.memory_space<hbm>>
        tpu.enqueue_indirect_dma source(%dma_start3A_139 : memref<10240x16xf32, #tpu.memory_space<hbm>>) target(%arg11 : memref<40x16xf32, #tpu.memory_space<vmem>>) offsets(%dma_start3A_136 : memref<40xi32, #tpu.memory_space<vmem>>) semaphore(%arg18 : memref<!tpu.dma_semaphore, #tpu.memory_space<semaphore_mem>>)
        %dma_start3A_140 = arith.constant 0 : i32
        %dma_start3A_141 = tpu.memref_slice %arg9[%add3A_133, %dma_start3A_140] : memref<250x40xi32, #tpu.memory_space<vmem>> -> memref<1x40xi32, #tpu.memory_space<vmem>>
        %dma_start3A_142 = tpu.memref_squeeze %dma_start3A_141 : memref<1x40xi32, #tpu.memory_space<vmem>> -> memref<40xi32, #tpu.memory_space<vmem>>
        %dma_start3A_143 = arith.constant 0 : i32
        %dma_start3A_144 = arith.constant 0 : i32
        %dma_start3A_145 = tpu.memref_slice %arg5[%dma_start3A_143, %dma_start3A_144] : memref<10240x16xf32, #tpu.memory_space<hbm>> -> memref<10240x16xf32, #tpu.memory_space<hbm>>
        tpu.enqueue_indirect_dma source(%dma_start3A_145 : memref<10240x16xf32, #tpu.memory_space<hbm>>) target(%arg13 : memref<40x16xf32, #tpu.memory_space<vmem>>) offsets(%dma_start3A_142 : memref<40xi32, #tpu.memory_space<vmem>>) semaphore(%arg20 : memref<!tpu.dma_semaphore, #tpu.memory_space<semaphore_mem>>)
        %dma_start3A_146 = arith.constant 0 : i32
        %dma_start3A_147 = tpu.memref_slice %arg9[%add3A_133, %dma_start3A_146] : memref<250x40xi32, #tpu.memory_space<vmem>> -> memref<1x40xi32, #tpu.memory_space<vmem>>
        %dma_start3A_148 = tpu.memref_squeeze %dma_start3A_147 : memref<1x40xi32, #tpu.memory_space<vmem>> -> memref<40xi32, #tpu.memory_space<vmem>>
        %dma_start3A_149 = arith.constant 0 : i32
        %dma_start3A_150 = arith.constant 0 : i32
        %dma_start3A_151 = tpu.memref_slice %arg6[%dma_start3A_149, %dma_start3A_150] : memref<10240x144xf32, #tpu.memory_space<hbm>> -> memref<10240x144xf32, #tpu.memory_space<hbm>>
        tpu.enqueue_indirect_dma source(%dma_start3A_151 : memref<10240x144xf32, #tpu.memory_space<hbm>>) target(%arg15 : memref<40x144xf32, #tpu.memory_space<vmem>>) offsets(%dma_start3A_148 : memref<40xi32, #tpu.memory_space<vmem>>) semaphore(%arg22 : memref<!tpu.dma_semaphore, #tpu.memory_space<semaphore_mem>>)
      } else {
      }
      %dma_wait3A_96 = arith.constant 0 : i32
      %dma_wait3A_97 = tpu.memref_slice %arg10[%add3A_88, %dma_wait3A_96] : memref<250x40xi32, #tpu.memory_space<vmem>> -> memref<1x40xi32, #tpu.memory_space<vmem>>
      %dma_wait3A_98 = tpu.memref_squeeze %dma_wait3A_97 : memref<1x40xi32, #tpu.memory_space<vmem>> -> memref<40xi32, #tpu.memory_space<vmem>>
      %dma_wait3A_99 = arith.constant 0 : i32
      %dma_wait3A_100 = arith.constant 0 : i32
      %dma_wait3A_101 = tpu.memref_slice %arg4[%dma_wait3A_99, %dma_wait3A_100] : memref<10240x16xf32, #tpu.memory_space<hbm>> -> memref<10240x16xf32, #tpu.memory_space<hbm>>
      tpu.wait_indirect_dma semaphore(%arg19 : memref<!tpu.dma_semaphore, #tpu.memory_space<semaphore_mem>>) src(%dma_wait3A_101 : memref<10240x16xf32, #tpu.memory_space<hbm>>) dst(%arg12 : memref<40x16xf32, #tpu.memory_space<vmem>>)
      %dma_wait3A_102 = arith.constant 0 : i32
      %dma_wait3A_103 = tpu.memref_slice %arg9[%add3A_88, %dma_wait3A_102] : memref<250x40xi32, #tpu.memory_space<vmem>> -> memref<1x40xi32, #tpu.memory_space<vmem>>
      %dma_wait3A_104 = tpu.memref_squeeze %dma_wait3A_103 : memref<1x40xi32, #tpu.memory_space<vmem>> -> memref<40xi32, #tpu.memory_space<vmem>>
      %dma_wait3A_105 = arith.constant 0 : i32
      %dma_wait3A_106 = arith.constant 0 : i32
      %dma_wait3A_107 = tpu.memref_slice %arg5[%dma_wait3A_105, %dma_wait3A_106] : memref<10240x16xf32, #tpu.memory_space<hbm>> -> memref<10240x16xf32, #tpu.memory_space<hbm>>
      tpu.wait_indirect_dma semaphore(%arg21 : memref<!tpu.dma_semaphore, #tpu.memory_space<semaphore_mem>>) src(%dma_wait3A_107 : memref<10240x16xf32, #tpu.memory_space<hbm>>) dst(%arg14 : memref<40x16xf32, #tpu.memory_space<vmem>>)
      %dma_wait3A_108 = arith.constant 0 : i32
      %dma_wait3A_109 = tpu.memref_slice %arg9[%add3A_88, %dma_wait3A_108] : memref<250x40xi32, #tpu.memory_space<vmem>> -> memref<1x40xi32, #tpu.memory_space<vmem>>
      %dma_wait3A_110 = tpu.memref_squeeze %dma_wait3A_109 : memref<1x40xi32, #tpu.memory_space<vmem>> -> memref<40xi32, #tpu.memory_space<vmem>>
      %dma_wait3A_111 = arith.constant 0 : i32
      %dma_wait3A_112 = arith.constant 0 : i32
      %dma_wait3A_113 = tpu.memref_slice %arg6[%dma_wait3A_111, %dma_wait3A_112] : memref<10240x144xf32, #tpu.memory_space<hbm>> -> memref<10240x144xf32, #tpu.memory_space<hbm>>
      tpu.wait_indirect_dma semaphore(%arg23 : memref<!tpu.dma_semaphore, #tpu.memory_space<semaphore_mem>>) src(%dma_wait3A_113 : memref<10240x144xf32, #tpu.memory_space<hbm>>) dst(%arg16 : memref<40x144xf32, #tpu.memory_space<vmem>>)
      %scan3A_114 = arith.constant 0 : i32
      %scan3A_115 = arith.constant 0 : i32
      %scan3A_116 = arith.constant 40 : i32
      %scan3A_117 = arith.addi %scan3A_115, %scan3A_116 : i32
      %scan3A_118 = arith.constant 2 : i32
      scf.for %scan3A_126 = %scan3A_115 to %scan3A_117 step %scan3A_118  : i32 {
        %get3A = arith.index_cast %scan3A_126 : i32 to index
        %get3A_127 = arith.constant 0 : index
        %get3A_128 = tpu.vector_load %arg12[%get3A, %get3A_127] {strides = array<i32>} : memref<40x16xf32, #tpu.memory_space<vmem>>, vector<1x16xf32>,
        %get3A_129 = vector.shape_cast %get3A_128 : vector<1x16xf32> to vector<16xf32>
        %get3A_130 = arith.index_cast %scan3A_126 : i32 to index
        %get3A_131 = arith.constant 0 : index
        %get3A_132 = tpu.vector_load %arg14[%get3A_130, %get3A_131] {strides = array<i32>} : memref<40x16xf32, #tpu.memory_space<vmem>>, vector<1x16xf32>,
        %get3A_133 = vector.shape_cast %get3A_132 : vector<1x16xf32> to vector<16xf32>
        %add3A_134 = arith.addf %get3A_129, %get3A_133 : vector<16xf32>
        %mul3A_135 = arith.constant 2.000000e-01 : f32
        %mul3A_136 = vector.broadcast %mul3A_135 : f32 to vector<16xf32>
        %mul3A_137 = arith.mulf %mul3A_136, %add3A_134 : vector<16xf32>
        %max3A = arith.maximumf %add3A_134, %mul3A_137 : vector<16xf32>
        %exp3A = math.exp %max3A : vector<16xf32>
        %get3A_138 = arith.index_cast %scan3A_126 : i32 to index
        %get3A_139 = arith.constant 0 : index
        %get3A_140 = tpu.vector_load %arg16[%get3A_138, %get3A_139] {strides = array<i32>} : memref<40x144xf32, #tpu.memory_space<vmem>>, vector<1x16xf32>,
        %get3A_141 = vector.shape_cast %get3A_140 : vector<1x16xf32> to vector<16xf32>
        %mul3A_142 = arith.mulf %get3A_141, %exp3A : vector<16xf32>
        %swap3A = arith.index_cast %scan3A_126 : i32 to index
        %swap3A_143 = arith.constant 0 : index
        %swap3A_144 = tpu.vector_load %arg16[%swap3A, %swap3A_143] {strides = array<i32>} : memref<40x144xf32, #tpu.memory_space<vmem>>, vector<1x16xf32>,
        %swap3A_145 = vector.shape_cast %swap3A_144 : vector<1x16xf32> to vector<16xf32>
        %swap3A_146 = vector.shape_cast %mul3A_142 : vector<16xf32> to vector<1x16xf32>
        tpu.vector_store %arg16[%swap3A, %swap3A_143], %swap3A_146 {strides = array<i32>} : memref<40x144xf32, #tpu.memory_space<vmem>>, vector<1x16xf32>,
        %get3A_147 = arith.index_cast %scan3A_126 : i32 to index
        %get3A_148 = arith.constant 16 : index
        %get3A_149 = tpu.vector_load %arg16[%get3A_147, %get3A_148] {strides = array<i32>} : memref<40x144xf32, #tpu.memory_space<vmem>>, vector<1x16xf32>,
        %get3A_150 = vector.shape_cast %get3A_149 : vector<1x16xf32> to vector<16xf32>
        %slice3A = vector.extract_strided_slice %exp3A {offsets = [0], sizes = [1], strides = [1]} : vector<16xf32> to vector<1xf32>
        %squeeze3A = vector.extract %slice3A[0] : f32 from vector<1xf32>
        %mul3A_151 = vector.broadcast %squeeze3A : f32 to vector<16xf32>
        %mul3A_152 = arith.mulf %get3A_150, %mul3A_151 : vector<16xf32>
        %swap3A_153 = arith.index_cast %scan3A_126 : i32 to index
        %swap3A_154 = arith.constant 16 : index
        %swap3A_155 = tpu.vector_load %arg16[%swap3A_153, %swap3A_154] {strides = array<i32>} : memref<40x144xf32, #tpu.memory_space<vmem>>, vector<1x16xf32>,
        %swap3A_156 = vector.shape_cast %swap3A_155 : vector<1x16xf32> to vector<16xf32>
        %swap3A_157 = vector.shape_cast %mul3A_152 : vector<16xf32> to vector<1x16xf32>
        tpu.vector_store %arg16[%swap3A_153, %swap3A_154], %swap3A_157 {strides = array<i32>} : memref<40x144xf32, #tpu.memory_space<vmem>>, vector<1x16xf32>,
        %get3A_158 = arith.index_cast %scan3A_126 : i32 to index
        %get3A_159 = arith.constant 32 : index
        %get3A_160 = tpu.vector_load %arg16[%get3A_158, %get3A_159] {strides = array<i32>} : memref<40x144xf32, #tpu.memory_space<vmem>>, vector<1x16xf32>,
        %get3A_161 = vector.shape_cast %get3A_160 : vector<1x16xf32> to vector<16xf32>
        %slice3A_162 = vector.extract_strided_slice %exp3A {offsets = [1], sizes = [1], strides = [1]} : vector<16xf32> to vector<1xf32>
        %squeeze3A_163 = vector.extract %slice3A_162[0] : f32 from vector<1xf32>
        %mul3A_164 = vector.broadcast %squeeze3A_163 : f32 to vector<16xf32>
        %mul3A_165 = arith.mulf %get3A_161, %mul3A_164 : vector<16xf32>
        %swap3A_166 = arith.index_cast %scan3A_126 : i32 to index
        %swap3A_167 = arith.constant 32 : index
        %swap3A_168 = tpu.vector_load %arg16[%swap3A_166, %swap3A_167] {strides = array<i32>} : memref<40x144xf32, #tpu.memory_space<vmem>>, vector<1x16xf32>,
        %swap3A_169 = vector.shape_cast %swap3A_168 : vector<1x16xf32> to vector<16xf32>
        %swap3A_170 = vector.shape_cast %mul3A_165 : vector<16xf32> to vector<1x16xf32>
        tpu.vector_store %arg16[%swap3A_166, %swap3A_167], %swap3A_170 {strides = array<i32>} : memref<40x144xf32, #tpu.memory_space<vmem>>, vector<1x16xf32>,
        %get3A_171 = arith.index_cast %scan3A_126 : i32 to index
        %get3A_172 = arith.constant 48 : index
        %get3A_173 = tpu.vector_load %arg16[%get3A_171, %get3A_172] {strides = array<i32>} : memref<40x144xf32, #tpu.memory_space<vmem>>, vector<1x16xf32>,
        %get3A_174 = vector.shape_cast %get3A_173 : vector<1x16xf32> to vector<16xf32>
        %slice3A_175 = vector.extract_strided_slice %exp3A {offsets = [2], sizes = [1], strides = [1]} : vector<16xf32> to vector<1xf32>
        %squeeze3A_176 = vector.extract %slice3A_175[0] : f32 from vector<1xf32>
        %mul3A_177 = vector.broadcast %squeeze3A_176 : f32 to vector<16xf32>
        %mul3A_178 = arith.mulf %get3A_174, %mul3A_177 : vector<16xf32>
        %swap3A_179 = arith.index_cast %scan3A_126 : i32 to index
        %swap3A_180 = arith.constant 48 : index
        %swap3A_181 = tpu.vector_load %arg16[%swap3A_179, %swap3A_180] {strides = array<i32>} : memref<40x144xf32, #tpu.memory_space<vmem>>, vector<1x16xf32>,
        %swap3A_182 = vector.shape_cast %swap3A_181 : vector<1x16xf32> to vector<16xf32>
        %swap3A_183 = vector.shape_cast %mul3A_178 : vector<16xf32> to vector<1x16xf32>
        tpu.vector_store %arg16[%swap3A_179, %swap3A_180], %swap3A_183 {strides = array<i32>} : memref<40x144xf32, #tpu.memory_space<vmem>>, vector<1x16xf32>,
        %get3A_184 = arith.index_cast %scan3A_126 : i32 to index
        %get3A_185 = arith.constant 64 : index
        %get3A_186 = tpu.vector_load %arg16[%get3A_184, %get3A_185] {strides = array<i32>} : memref<40x144xf32, #tpu.memory_space<vmem>>, vector<1x16xf32>,
        %get3A_187 = vector.shape_cast %get3A_186 : vector<1x16xf32> to vector<16xf32>
        %slice3A_188 = vector.extract_strided_slice %exp3A {offsets = [3], sizes = [1], strides = [1]} : vector<16xf32> to vector<1xf32>
        %squeeze3A_189 = vector.extract %slice3A_188[0] : f32 from vector<1xf32>
        %mul3A_190 = vector.broadcast %squeeze3A_189 : f32 to vector<16xf32>
        %mul3A_191 = arith.mulf %get3A_187, %mul3A_190 : vector<16xf32>
        %swap3A_192 = arith.index_cast %scan3A_126 : i32 to index
        %swap3A_193 = arith.constant 64 : index
        %swap3A_194 = tpu.vector_load %arg16[%swap3A_192, %swap3A_193] {strides = array<i32>} : memref<40x144xf32, #tpu.memory_space<vmem>>, vector<1x16xf32>,
        %swap3A_195 = vector.shape_cast %swap3A_194 : vector<1x16xf32> to vector<16xf32>
        %swap3A_196 = vector.shape_cast %mul3A_191 : vector<16xf32> to vector<1x16xf32>
        tpu.vector_store %arg16[%swap3A_192, %swap3A_193], %swap3A_196 {strides = array<i32>} : memref<40x144xf32, #tpu.memory_space<vmem>>, vector<1x16xf32>,
        %get3A_197 = arith.index_cast %scan3A_126 : i32 to index
        %get3A_198 = arith.constant 80 : index
        %get3A_199 = tpu.vector_load %arg16[%get3A_197, %get3A_198] {strides = array<i32>} : memref<40x144xf32, #tpu.memory_space<vmem>>, vector<1x16xf32>,
        %get3A_200 = vector.shape_cast %get3A_199 : vector<1x16xf32> to vector<16xf32>
        %slice3A_201 = vector.extract_strided_slice %exp3A {offsets = [4], sizes = [1], strides = [1]} : vector<16xf32> to vector<1xf32>
        %squeeze3A_202 = vector.extract %slice3A_201[0] : f32 from vector<1xf32>
        %mul3A_203 = vector.broadcast %squeeze3A_202 : f32 to vector<16xf32>
        %mul3A_204 = arith.mulf %get3A_200, %mul3A_203 : vector<16xf32>
        %swap3A_205 = arith.index_cast %scan3A_126 : i32 to index
        %swap3A_206 = arith.constant 80 : index
        %swap3A_207 = tpu.vector_load %arg16[%swap3A_205, %swap3A_206] {strides = array<i32>} : memref<40x144xf32, #tpu.memory_space<vmem>>, vector<1x16xf32>,
        %swap3A_208 = vector.shape_cast %swap3A_207 : vector<1x16xf32> to vector<16xf32>
        %swap3A_209 = vector.shape_cast %mul3A_204 : vector<16xf32> to vector<1x16xf32>
        tpu.vector_store %arg16[%swap3A_205, %swap3A_206], %swap3A_209 {strides = array<i32>} : memref<40x144xf32, #tpu.memory_space<vmem>>, vector<1x16xf32>,
        %get3A_210 = arith.index_cast %scan3A_126 : i32 to index
        %get3A_211 = arith.constant 96 : index
        %get3A_212 = tpu.vector_load %arg16[%get3A_210, %get3A_211] {strides = array<i32>} : memref<40x144xf32, #tpu.memory_space<vmem>>, vector<1x16xf32>,
        %get3A_213 = vector.shape_cast %get3A_212 : vector<1x16xf32> to vector<16xf32>
        %slice3A_214 = vector.extract_strided_slice %exp3A {offsets = [5], sizes = [1], strides = [1]} : vector<16xf32> to vector<1xf32>
        %squeeze3A_215 = vector.extract %slice3A_214[0] : f32 from vector<1xf32>
        %mul3A_216 = vector.broadcast %squeeze3A_215 : f32 to vector<16xf32>
        %mul3A_217 = arith.mulf %get3A_213, %mul3A_216 : vector<16xf32>
        %swap3A_218 = arith.index_cast %scan3A_126 : i32 to index
        %swap3A_219 = arith.constant 96 : index
        %swap3A_220 = tpu.vector_load %arg16[%swap3A_218, %swap3A_219] {strides = array<i32>} : memref<40x144xf32, #tpu.memory_space<vmem>>, vector<1x16xf32>,
        %swap3A_221 = vector.shape_cast %swap3A_220 : vector<1x16xf32> to vector<16xf32>
        %swap3A_222 = vector.shape_cast %mul3A_217 : vector<16xf32> to vector<1x16xf32>
        tpu.vector_store %arg16[%swap3A_218, %swap3A_219], %swap3A_222 {strides = array<i32>} : memref<40x144xf32, #tpu.memory_space<vmem>>, vector<1x16xf32>,
        %get3A_223 = arith.index_cast %scan3A_126 : i32 to index
        %get3A_224 = arith.constant 112 : index
        %get3A_225 = tpu.vector_load %arg16[%get3A_223, %get3A_224] {strides = array<i32>} : memref<40x144xf32, #tpu.memory_space<vmem>>, vector<1x16xf32>,
        %get3A_226 = vector.shape_cast %get3A_225 : vector<1x16xf32> to vector<16xf32>
        %slice3A_227 = vector.extract_strided_slice %exp3A {offsets = [6], sizes = [1], strides = [1]} : vector<16xf32> to vector<1xf32>
        %squeeze3A_228 = vector.extract %slice3A_227[0] : f32 from vector<1xf32>
        %mul3A_229 = vector.broadcast %squeeze3A_228 : f32 to vector<16xf32>
        %mul3A_230 = arith.mulf %get3A_226, %mul3A_229 : vector<16xf32>
        %swap3A_231 = arith.index_cast %scan3A_126 : i32 to index
        %swap3A_232 = arith.constant 112 : index
        %swap3A_233 = tpu.vector_load %arg16[%swap3A_231, %swap3A_232] {strides = array<i32>} : memref<40x144xf32, #tpu.memory_space<vmem>>, vector<1x16xf32>,
        %swap3A_234 = vector.shape_cast %swap3A_233 : vector<1x16xf32> to vector<16xf32>
        %swap3A_235 = vector.shape_cast %mul3A_230 : vector<16xf32> to vector<1x16xf32>
        tpu.vector_store %arg16[%swap3A_231, %swap3A_232], %swap3A_235 {strides = array<i32>} : memref<40x144xf32, #tpu.memory_space<vmem>>, vector<1x16xf32>,
        %get3A_236 = arith.index_cast %scan3A_126 : i32 to index
        %get3A_237 = arith.constant 128 : index
        %get3A_238 = tpu.vector_load %arg16[%get3A_236, %get3A_237] {strides = array<i32>} : memref<40x144xf32, #tpu.memory_space<vmem>>, vector<1x16xf32>,
        %get3A_239 = vector.shape_cast %get3A_238 : vector<1x16xf32> to vector<16xf32>
        %slice3A_240 = vector.extract_strided_slice %exp3A {offsets = [7], sizes = [1], strides = [1]} : vector<16xf32> to vector<1xf32>
        %squeeze3A_241 = vector.extract %slice3A_240[0] : f32 from vector<1xf32>
        %mul3A_242 = vector.broadcast %squeeze3A_241 : f32 to vector<16xf32>
        %mul3A_243 = arith.mulf %get3A_239, %mul3A_242 : vector<16xf32>
        %swap3A_244 = arith.index_cast %scan3A_126 : i32 to index
        %swap3A_245 = arith.constant 128 : index
        %swap3A_246 = tpu.vector_load %arg16[%swap3A_244, %swap3A_245] {strides = array<i32>} : memref<40x144xf32, #tpu.memory_space<vmem>>, vector<1x16xf32>,
        %swap3A_247 = vector.shape_cast %swap3A_246 : vector<1x16xf32> to vector<16xf32>
        %swap3A_248 = vector.shape_cast %mul3A_243 : vector<16xf32> to vector<1x16xf32>
        tpu.vector_store %arg16[%swap3A_244, %swap3A_245], %swap3A_248 {strides = array<i32>} : memref<40x144xf32, #tpu.memory_space<vmem>>, vector<1x16xf32>,
        %scan3A_249 = arith.constant 1 : i32
        %scan3A_250 = arith.addi %scan3A_126, %scan3A_249 : i32
        %get3A_251 = arith.index_cast %scan3A_250 : i32 to index
        %get3A_252 = arith.constant 0 : index
        %get3A_253 = tpu.vector_load %arg12[%get3A_251, %get3A_252] {strides = array<i32>} : memref<40x16xf32, #tpu.memory_space<vmem>>, vector<1x16xf32>,
        %get3A_254 = vector.shape_cast %get3A_253 : vector<1x16xf32> to vector<16xf32>
        %get3A_255 = arith.index_cast %scan3A_250 : i32 to index
        %get3A_256 = arith.constant 0 : index
        %get3A_257 = tpu.vector_load %arg14[%get3A_255, %get3A_256] {strides = array<i32>} : memref<40x16xf32, #tpu.memory_space<vmem>>, vector<1x16xf32>,
        %get3A_258 = vector.shape_cast %get3A_257 : vector<1x16xf32> to vector<16xf32>
        %add3A_259 = arith.addf %get3A_254, %get3A_258 : vector<16xf32>
        %mul3A_260 = arith.constant 2.000000e-01 : f32
        %mul3A_261 = vector.broadcast %mul3A_260 : f32 to vector<16xf32>
        %mul3A_262 = arith.mulf %mul3A_261, %add3A_259 : vector<16xf32>
        %max3A_263 = arith.maximumf %add3A_259, %mul3A_262 : vector<16xf32>
        %exp3A_264 = math.exp %max3A_263 : vector<16xf32>
        %get3A_265 = arith.index_cast %scan3A_250 : i32 to index
        %get3A_266 = arith.constant 0 : index
        %get3A_267 = tpu.vector_load %arg16[%get3A_265, %get3A_266] {strides = array<i32>} : memref<40x144xf32, #tpu.memory_space<vmem>>, vector<1x16xf32>,
        %get3A_268 = vector.shape_cast %get3A_267 : vector<1x16xf32> to vector<16xf32>
        %mul3A_269 = arith.mulf %get3A_268, %exp3A_264 : vector<16xf32>
        %swap3A_270 = arith.index_cast %scan3A_250 : i32 to index
        %swap3A_271 = arith.constant 0 : index
        %swap3A_272 = tpu.vector_load %arg16[%swap3A_270, %swap3A_271] {strides = array<i32>} : memref<40x144xf32, #tpu.memory_space<vmem>>, vector<1x16xf32>,
        %swap3A_273 = vector.shape_cast %swap3A_272 : vector<1x16xf32> to vector<16xf32>
        %swap3A_274 = vector.shape_cast %mul3A_269 : vector<16xf32> to vector<1x16xf32>
        tpu.vector_store %arg16[%swap3A_270, %swap3A_271], %swap3A_274 {strides = array<i32>} : memref<40x144xf32, #tpu.memory_space<vmem>>, vector<1x16xf32>,
        %get3A_275 = arith.index_cast %scan3A_250 : i32 to index
        %get3A_276 = arith.constant 16 : index
        %get3A_277 = tpu.vector_load %arg16[%get3A_275, %get3A_276] {strides = array<i32>} : memref<40x144xf32, #tpu.memory_space<vmem>>, vector<1x16xf32>,
        %get3A_278 = vector.shape_cast %get3A_277 : vector<1x16xf32> to vector<16xf32>
        %slice3A_279 = vector.extract_strided_slice %exp3A_264 {offsets = [0], sizes = [1], strides = [1]} : vector<16xf32> to vector<1xf32>
        %squeeze3A_280 = vector.extract %slice3A_279[0] : f32 from vector<1xf32>
        %mul3A_281 = vector.broadcast %squeeze3A_280 : f32 to vector<16xf32>
        %mul3A_282 = arith.mulf %get3A_278, %mul3A_281 : vector<16xf32>
        %swap3A_283 = arith.index_cast %scan3A_250 : i32 to index
        %swap3A_284 = arith.constant 16 : index
        %swap3A_285 = tpu.vector_load %arg16[%swap3A_283, %swap3A_284] {strides = array<i32>} : memref<40x144xf32, #tpu.memory_space<vmem>>, vector<1x16xf32>,
        %swap3A_286 = vector.shape_cast %swap3A_285 : vector<1x16xf32> to vector<16xf32>
        %swap3A_287 = vector.shape_cast %mul3A_282 : vector<16xf32> to vector<1x16xf32>
        tpu.vector_store %arg16[%swap3A_283, %swap3A_284], %swap3A_287 {strides = array<i32>} : memref<40x144xf32, #tpu.memory_space<vmem>>, vector<1x16xf32>,
        %get3A_288 = arith.index_cast %scan3A_250 : i32 to index
        %get3A_289 = arith.constant 32 : index
        %get3A_290 = tpu.vector_load %arg16[%get3A_288, %get3A_289] {strides = array<i32>} : memref<40x144xf32, #tpu.memory_space<vmem>>, vector<1x16xf32>,
        %get3A_291 = vector.shape_cast %get3A_290 : vector<1x16xf32> to vector<16xf32>
        %slice3A_292 = vector.extract_strided_slice %exp3A_264 {offsets = [1], sizes = [1], strides = [1]} : vector<16xf32> to vector<1xf32>
        %squeeze3A_293 = vector.extract %slice3A_292[0] : f32 from vector<1xf32>
        %mul3A_294 = vector.broadcast %squeeze3A_293 : f32 to vector<16xf32>
        %mul3A_295 = arith.mulf %get3A_291, %mul3A_294 : vector<16xf32>
        %swap3A_296 = arith.index_cast %scan3A_250 : i32 to index
        %swap3A_297 = arith.constant 32 : index
        %swap3A_298 = tpu.vector_load %arg16[%swap3A_296, %swap3A_297] {strides = array<i32>} : memref<40x144xf32, #tpu.memory_space<vmem>>, vector<1x16xf32>,
        %swap3A_299 = vector.shape_cast %swap3A_298 : vector<1x16xf32> to vector<16xf32>
        %swap3A_300 = vector.shape_cast %mul3A_295 : vector<16xf32> to vector<1x16xf32>
        tpu.vector_store %arg16[%swap3A_296, %swap3A_297], %swap3A_300 {strides = array<i32>} : memref<40x144xf32, #tpu.memory_space<vmem>>, vector<1x16xf32>,
        %get3A_301 = arith.index_cast %scan3A_250 : i32 to index
        %get3A_302 = arith.constant 48 : index
        %get3A_303 = tpu.vector_load %arg16[%get3A_301, %get3A_302] {strides = array<i32>} : memref<40x144xf32, #tpu.memory_space<vmem>>, vector<1x16xf32>,
        %get3A_304 = vector.shape_cast %get3A_303 : vector<1x16xf32> to vector<16xf32>
        %slice3A_305 = vector.extract_strided_slice %exp3A_264 {offsets = [2], sizes = [1], strides = [1]} : vector<16xf32> to vector<1xf32>
        %squeeze3A_306 = vector.extract %slice3A_305[0] : f32 from vector<1xf32>
        %mul3A_307 = vector.broadcast %squeeze3A_306 : f32 to vector<16xf32>
        %mul3A_308 = arith.mulf %get3A_304, %mul3A_307 : vector<16xf32>
        %swap3A_309 = arith.index_cast %scan3A_250 : i32 to index
        %swap3A_310 = arith.constant 48 : index
        %swap3A_311 = tpu.vector_load %arg16[%swap3A_309, %swap3A_310] {strides = array<i32>} : memref<40x144xf32, #tpu.memory_space<vmem>>, vector<1x16xf32>,
        %swap3A_312 = vector.shape_cast %swap3A_311 : vector<1x16xf32> to vector<16xf32>
        %swap3A_313 = vector.shape_cast %mul3A_308 : vector<16xf32> to vector<1x16xf32>
        tpu.vector_store %arg16[%swap3A_309, %swap3A_310], %swap3A_313 {strides = array<i32>} : memref<40x144xf32, #tpu.memory_space<vmem>>, vector<1x16xf32>,
        %get3A_314 = arith.index_cast %scan3A_250 : i32 to index
        %get3A_315 = arith.constant 64 : index
        %get3A_316 = tpu.vector_load %arg16[%get3A_314, %get3A_315] {strides = array<i32>} : memref<40x144xf32, #tpu.memory_space<vmem>>, vector<1x16xf32>,
        %get3A_317 = vector.shape_cast %get3A_316 : vector<1x16xf32> to vector<16xf32>
        %slice3A_318 = vector.extract_strided_slice %exp3A_264 {offsets = [3], sizes = [1], strides = [1]} : vector<16xf32> to vector<1xf32>
        %squeeze3A_319 = vector.extract %slice3A_318[0] : f32 from vector<1xf32>
        %mul3A_320 = vector.broadcast %squeeze3A_319 : f32 to vector<16xf32>
        %mul3A_321 = arith.mulf %get3A_317, %mul3A_320 : vector<16xf32>
        %swap3A_322 = arith.index_cast %scan3A_250 : i32 to index
        %swap3A_323 = arith.constant 64 : index
        %swap3A_324 = tpu.vector_load %arg16[%swap3A_322, %swap3A_323] {strides = array<i32>} : memref<40x144xf32, #tpu.memory_space<vmem>>, vector<1x16xf32>,
        %swap3A_325 = vector.shape_cast %swap3A_324 : vector<1x16xf32> to vector<16xf32>
        %swap3A_326 = vector.shape_cast %mul3A_321 : vector<16xf32> to vector<1x16xf32>
        tpu.vector_store %arg16[%swap3A_322, %swap3A_323], %swap3A_326 {strides = array<i32>} : memref<40x144xf32, #tpu.memory_space<vmem>>, vector<1x16xf32>,
        %get3A_327 = arith.index_cast %scan3A_250 : i32 to index
        %get3A_328 = arith.constant 80 : index
        %get3A_329 = tpu.vector_load %arg16[%get3A_327, %get3A_328] {strides = array<i32>} : memref<40x144xf32, #tpu.memory_space<vmem>>, vector<1x16xf32>,
        %get3A_330 = vector.shape_cast %get3A_329 : vector<1x16xf32> to vector<16xf32>
        %slice3A_331 = vector.extract_strided_slice %exp3A_264 {offsets = [4], sizes = [1], strides = [1]} : vector<16xf32> to vector<1xf32>
        %squeeze3A_332 = vector.extract %slice3A_331[0] : f32 from vector<1xf32>
        %mul3A_333 = vector.broadcast %squeeze3A_332 : f32 to vector<16xf32>
        %mul3A_334 = arith.mulf %get3A_330, %mul3A_333 : vector<16xf32>
        %swap3A_335 = arith.index_cast %scan3A_250 : i32 to index
        %swap3A_336 = arith.constant 80 : index
        %swap3A_337 = tpu.vector_load %arg16[%swap3A_335, %swap3A_336] {strides = array<i32>} : memref<40x144xf32, #tpu.memory_space<vmem>>, vector<1x16xf32>,
        %swap3A_338 = vector.shape_cast %swap3A_337 : vector<1x16xf32> to vector<16xf32>
        %swap3A_339 = vector.shape_cast %mul3A_334 : vector<16xf32> to vector<1x16xf32>
        tpu.vector_store %arg16[%swap3A_335, %swap3A_336], %swap3A_339 {strides = array<i32>} : memref<40x144xf32, #tpu.memory_space<vmem>>, vector<1x16xf32>,
        %get3A_340 = arith.index_cast %scan3A_250 : i32 to index
        %get3A_341 = arith.constant 96 : index
        %get3A_342 = tpu.vector_load %arg16[%get3A_340, %get3A_341] {strides = array<i32>} : memref<40x144xf32, #tpu.memory_space<vmem>>, vector<1x16xf32>,
        %get3A_343 = vector.shape_cast %get3A_342 : vector<1x16xf32> to vector<16xf32>
        %slice3A_344 = vector.extract_strided_slice %exp3A_264 {offsets = [5], sizes = [1], strides = [1]} : vector<16xf32> to vector<1xf32>
        %squeeze3A_345 = vector.extract %slice3A_344[0] : f32 from vector<1xf32>
        %mul3A_346 = vector.broadcast %squeeze3A_345 : f32 to vector<16xf32>
        %mul3A_347 = arith.mulf %get3A_343, %mul3A_346 : vector<16xf32>
        %swap3A_348 = arith.index_cast %scan3A_250 : i32 to index
        %swap3A_349 = arith.constant 96 : index
        %swap3A_350 = tpu.vector_load %arg16[%swap3A_348, %swap3A_349] {strides = array<i32>} : memref<40x144xf32, #tpu.memory_space<vmem>>, vector<1x16xf32>,
        %swap3A_351 = vector.shape_cast %swap3A_350 : vector<1x16xf32> to vector<16xf32>
        %swap3A_352 = vector.shape_cast %mul3A_347 : vector<16xf32> to vector<1x16xf32>
        tpu.vector_store %arg16[%swap3A_348, %swap3A_349], %swap3A_352 {strides = array<i32>} : memref<40x144xf32, #tpu.memory_space<vmem>>, vector<1x16xf32>,
        %get3A_353 = arith.index_cast %scan3A_250 : i32 to index
        %get3A_354 = arith.constant 112 : index
        %get3A_355 = tpu.vector_load %arg16[%get3A_353, %get3A_354] {strides = array<i32>} : memref<40x144xf32, #tpu.memory_space<vmem>>, vector<1x16xf32>,
        %get3A_356 = vector.shape_cast %get3A_355 : vector<1x16xf32> to vector<16xf32>
        %slice3A_357 = vector.extract_strided_slice %exp3A_264 {offsets = [6], sizes = [1], strides = [1]} : vector<16xf32> to vector<1xf32>
        %squeeze3A_358 = vector.extract %slice3A_357[0] : f32 from vector<1xf32>
        %mul3A_359 = vector.broadcast %squeeze3A_358 : f32 to vector<16xf32>
        %mul3A_360 = arith.mulf %get3A_356, %mul3A_359 : vector<16xf32>
        %swap3A_361 = arith.index_cast %scan3A_250 : i32 to index
        %swap3A_362 = arith.constant 112 : index
        %swap3A_363 = tpu.vector_load %arg16[%swap3A_361, %swap3A_362] {strides = array<i32>} : memref<40x144xf32, #tpu.memory_space<vmem>>, vector<1x16xf32>,
        %swap3A_364 = vector.shape_cast %swap3A_363 : vector<1x16xf32> to vector<16xf32>
        %swap3A_365 = vector.shape_cast %mul3A_360 : vector<16xf32> to vector<1x16xf32>
        tpu.vector_store %arg16[%swap3A_361, %swap3A_362], %swap3A_365 {strides = array<i32>} : memref<40x144xf32, #tpu.memory_space<vmem>>, vector<1x16xf32>,
        %get3A_366 = arith.index_cast %scan3A_250 : i32 to index
        %get3A_367 = arith.constant 128 : index
        %get3A_368 = tpu.vector_load %arg16[%get3A_366, %get3A_367] {strides = array<i32>} : memref<40x144xf32, #tpu.memory_space<vmem>>, vector<1x16xf32>,
        %get3A_369 = vector.shape_cast %get3A_368 : vector<1x16xf32> to vector<16xf32>
        %slice3A_370 = vector.extract_strided_slice %exp3A_264 {offsets = [7], sizes = [1], strides = [1]} : vector<16xf32> to vector<1xf32>
        %squeeze3A_371 = vector.extract %slice3A_370[0] : f32 from vector<1xf32>
        %mul3A_372 = vector.broadcast %squeeze3A_371 : f32 to vector<16xf32>
        %mul3A_373 = arith.mulf %get3A_369, %mul3A_372 : vector<16xf32>
        %swap3A_374 = arith.index_cast %scan3A_250 : i32 to index
        %swap3A_375 = arith.constant 128 : index
        %swap3A_376 = tpu.vector_load %arg16[%swap3A_374, %swap3A_375] {strides = array<i32>} : memref<40x144xf32, #tpu.memory_space<vmem>>, vector<1x16xf32>,
        %swap3A_377 = vector.shape_cast %swap3A_376 : vector<1x16xf32> to vector<16xf32>
        %swap3A_378 = vector.shape_cast %mul3A_373 : vector<16xf32> to vector<1x16xf32>
        tpu.vector_store %arg16[%swap3A_374, %swap3A_375], %swap3A_378 {strides = array<i32>} : memref<40x144xf32, #tpu.memory_space<vmem>>, vector<1x16xf32>,
      }
      %scan3A_119 = arith.constant 40 : i32
      %dma_start3A_120 = arith.constant 0 : i32
      %dma_start3A_121 = tpu.memref_slice %arg10[%add3A_88, %dma_start3A_120] : memref<250x40xi32, #tpu.memory_space<vmem>> -> memref<1x40xi32, #tpu.memory_space<vmem>>
      %dma_start3A_122 = tpu.memref_squeeze %dma_start3A_121 : memref<1x40xi32, #tpu.memory_space<vmem>> -> memref<40xi32, #tpu.memory_space<vmem>>
      %dma_start3A_123 = arith.constant 0 : i32
      %dma_start3A_124 = arith.constant 0 : i32
      %dma_start3A_125 = tpu.memref_slice %arg17[%dma_start3A_123, %dma_start3A_124] : memref<10240x144xf32, #tpu.memory_space<vmem_shared>> -> memref<10240x144xf32, #tpu.memory_space<vmem_shared>>
      tpu.enqueue_indirect_dma source(%arg16 : memref<40x144xf32, #tpu.memory_space<vmem>>) target(%dma_start3A_125 : memref<10240x144xf32, #tpu.memory_space<vmem_shared>>) offsets(%dma_start3A_122 : memref<40xi32, #tpu.memory_space<vmem>>) semaphore(%arg25 : memref<!tpu.dma_semaphore, #tpu.memory_space<semaphore_mem>>) {add = true}
    }
    %scan3A_27 = arith.constant 125 : i32
    %dma_wait3A = arith.constant 248 : i32
    %dma_wait3A_28 = arith.constant 0 : i32
    %dma_wait3A_29 = tpu.memref_slice %arg10[%dma_wait3A, %dma_wait3A_28] : memref<250x40xi32, #tpu.memory_space<vmem>> -> memref<1x40xi32, #tpu.memory_space<vmem>>
    %dma_wait3A_30 = tpu.memref_squeeze %dma_wait3A_29 : memref<1x40xi32, #tpu.memory_space<vmem>> -> memref<40xi32, #tpu.memory_space<vmem>>
    %dma_wait3A_31 = arith.constant 0 : i32
    %dma_wait3A_32 = arith.constant 0 : i32
    %dma_wait3A_33 = tpu.memref_slice %arg17[%dma_wait3A_31, %dma_wait3A_32] : memref<10240x144xf32, #tpu.memory_space<vmem_shared>> -> memref<10240x144xf32, #tpu.memory_space<vmem_shared>>
    tpu.wait_indirect_dma semaphore(%arg24 : memref<!tpu.dma_semaphore, #tpu.memory_space<semaphore_mem>>) src(%arg15 : memref<40x144xf32, #tpu.memory_space<vmem>>) dst(%dma_wait3A_33 : memref<10240x144xf32, #tpu.memory_space<vmem_shared>>)
    %dma_wait3A_34 = arith.constant 249 : i32
    %dma_wait3A_35 = arith.constant 0 : i32
    %dma_wait3A_36 = tpu.memref_slice %arg10[%dma_wait3A_34, %dma_wait3A_35] : memref<250x40xi32, #tpu.memory_space<vmem>> -> memref<1x40xi32, #tpu.memory_space<vmem>>
    %dma_wait3A_37 = tpu.memref_squeeze %dma_wait3A_36 : memref<1x40xi32, #tpu.memory_space<vmem>> -> memref<40xi32, #tpu.memory_space<vmem>>
    %dma_wait3A_38 = arith.constant 0 : i32
    %dma_wait3A_39 = arith.constant 0 : i32
    %dma_wait3A_40 = tpu.memref_slice %arg17[%dma_wait3A_38, %dma_wait3A_39] : memref<10240x144xf32, #tpu.memory_space<vmem_shared>> -> memref<10240x144xf32, #tpu.memory_space<vmem_shared>>
    tpu.wait_indirect_dma semaphore(%arg25 : memref<!tpu.dma_semaphore, #tpu.memory_space<semaphore_mem>>) src(%arg16 : memref<40x144xf32, #tpu.memory_space<vmem>>) dst(%dma_wait3A_40 : memref<10240x144xf32, #tpu.memory_space<vmem_shared>>)
    %barrier3A_41 = arith.constant 0 : index
    tpu.barrier barrier_id(%barrier3A_41)
    %mul3A_42 = arith.constant 640 : i32
    %mul3A_43 = arith.muli %arg1, %mul3A_42 : i32
    %mul3A_44 = arith.constant 640 : i32
    %mul3A_45 = arith.muli %arg1, %mul3A_44 : i32
    "tpu.region"() ({
      %run_scoped3A = tpu.sem_alloc : memref<!tpu.dma_semaphore, #tpu.memory_space<semaphore_mem>>
      %dma_start3A_46 = arith.constant 0 : i32
      %dma_start3A_47 = tpu.memref_slice %arg8[%arg0, %mul3A_45, %dma_start3A_46] : memref<2x10240x144xf32, #tpu.memory_space<hbm>> -> memref<1x640x144xf32, #tpu.memory_space<hbm>>
      %dma_start3A_48 = tpu.memref_squeeze %dma_start3A_47 : memref<1x640x144xf32, #tpu.memory_space<hbm>> -> memref<640x144xf32, #tpu.memory_space<hbm>>
      %dma_start3A_49 = arith.constant 0 : i32
      %dma_start3A_50 = tpu.memref_slice %arg17[%mul3A_43, %dma_start3A_49] : memref<10240x144xf32, #tpu.memory_space<vmem_shared>> -> memref<640x144xf32, #tpu.memory_space<vmem_shared>>
      tpu.enqueue_dma source(%dma_start3A_50 : memref<640x144xf32, #tpu.memory_space<vmem_shared>>) target(%dma_start3A_48 : memref<640x144xf32, #tpu.memory_space<hbm>>) target_semaphore(%run_scoped3A : memref<!tpu.dma_semaphore, #tpu.memory_space<semaphore_mem>>)
      %dma_wait3A_51 = arith.constant 0 : i32
      %dma_wait3A_52 = tpu.memref_slice %arg8[%arg0, %mul3A_45, %dma_wait3A_51] : memref<2x10240x144xf32, #tpu.memory_space<hbm>> -> memref<1x640x144xf32, #tpu.memory_space<hbm>>
      %dma_wait3A_53 = tpu.memref_squeeze %dma_wait3A_52 : memref<1x640x144xf32, #tpu.memory_space<hbm>> -> memref<640x144xf32, #tpu.memory_space<hbm>>
      %dma_wait3A_54 = arith.constant 0 : i32
      %dma_wait3A_55 = tpu.memref_slice %arg17[%mul3A_43, %dma_wait3A_54] : memref<10240x144xf32, #tpu.memory_space<vmem_shared>> -> memref<640x144xf32, #tpu.memory_space<vmem_shared>>
      tpu.wait_dma2 semaphore(%run_scoped3A : memref<!tpu.dma_semaphore, #tpu.memory_space<semaphore_mem>>) src(%dma_wait3A_55 : memref<640x144xf32, #tpu.memory_space<vmem_shared>>) dst(%dma_wait3A_53 : memref<640x144xf32, #tpu.memory_space<hbm>>)
      tpu.yield
    }) : () -> ()
    return
  }
}

module attributes {stable_mosaic.version = 14 : i64} {
  func.func @_prep_body(%arg0: i32, %arg1: memref<1024x128xf32, #tpu.memory_space<vmem>>, %arg2: memref<128x128xf32, #tpu.memory_space<vmem>>, %arg3: memref<1x128xf32, #tpu.memory_space<vmem>>, %arg4: memref<128x16xf32, #tpu.memory_space<vmem>>, %arg5: memref<1x16xf32, #tpu.memory_space<vmem>>, %arg6: memref<128x16xf32, #tpu.memory_space<vmem>>, %arg7: memref<1x16xf32, #tpu.memory_space<vmem>>, %arg8: memref<1024x144xf32, #tpu.memory_space<vmem>>, %arg9: memref<1024x16xf32, #tpu.memory_space<vmem>>, %arg10: memref<1024x16xf32, #tpu.memory_space<vmem>>) attributes {dimension_semantics = [#tpu.dimension_semantics<arbitrary>], iteration_bounds = array<i64: 10>, scalar_prefetch = 0 : i64, scratch_operands = 0 : i64, tpu.core_type = #tpu.core_type<tc>, window_params = [{transform_indices = @transform_0, window_bounds = array<i64: 1024, 128>}, {pipeline_mode = #tpu.pipeline_mode<synchronous>, transform_indices = @transform_1, window_bounds = array<i64: 128, 128>}, {pipeline_mode = #tpu.pipeline_mode<synchronous>, transform_indices = @transform_2, window_bounds = array<i64: 1, 128>}, {pipeline_mode = #tpu.pipeline_mode<synchronous>, transform_indices = @transform_3, window_bounds = array<i64: 128, 16>}, {pipeline_mode = #tpu.pipeline_mode<synchronous>, transform_indices = @transform_4, window_bounds = array<i64: 1, 16>}, {pipeline_mode = #tpu.pipeline_mode<synchronous>, transform_indices = @transform_5, window_bounds = array<i64: 128, 16>}, {pipeline_mode = #tpu.pipeline_mode<synchronous>, transform_indices = @transform_6, window_bounds = array<i64: 1, 16>}, {transform_indices = @transform_7, window_bounds = array<i64: 1024, 144>}, {transform_indices = @transform_8, window_bounds = array<i64: 1024, 16>}, {transform_indices = @transform_9, window_bounds = array<i64: 1024, 16>}]} {
    %get3A = arith.constant 0 : index
    %get3A_0 = arith.constant 0 : index
    %get3A_1 = vector.load %arg1[%get3A, %get3A_0] : memref<1024x128xf32, #tpu.memory_space<vmem>>, vector<1024x128xf32>
    %get3A_2 = arith.constant 0 : index
    %get3A_3 = arith.constant 0 : index
    %get3A_4 = vector.load %arg2[%get3A_2, %get3A_3] : memref<128x128xf32, #tpu.memory_space<vmem>>, vector<128x128xf32>
    %dot_general3A = arith.constant dense<0.000000e+00> : vector<1024x128xf32>
    %dot_general3A_5 = tpu.matmul %get3A_1, %get3A_4, %dot_general3A {dimension_numbers = #tpu.dot_dimension_numbers<[1], [0], [0], [1], [0, 0, 1, 1], [], []>, precision = #tpu.contract_precision<fp32>, transpose_lhs_hint = false} : vector<1024x128xf32>, vector<128x128xf32>, vector<1024x128xf32> -> vector<1024x128xf32>
    %broadcast_in_dim3A = arith.constant 1.000000e+00 : f32
    %broadcast_in_dim3A_6 = vector.broadcast %broadcast_in_dim3A : f32 to vector<1024x8xf32>
    %broadcast_in_dim3A_7 = arith.constant 0.000000e+00 : f32
    %broadcast_in_dim3A_8 = vector.broadcast %broadcast_in_dim3A_7 : f32 to vector<1024x8xf32>
    %get3A_9 = arith.constant 0 : index
    %get3A_10 = arith.constant 0 : index
    %get3A_11 = vector.load %arg3[%get3A_9, %get3A_10] : memref<1x128xf32, #tpu.memory_space<vmem>>, vector<1x128xf32>
    %add3A = vector.broadcast %get3A_11 : vector<1x128xf32> to vector<1024x128xf32>
    %add3A_12 = arith.addf %dot_general3A_5, %add3A : vector<1024x128xf32>
    %concatenate3A = tpu.concatenate %broadcast_in_dim3A_6, %broadcast_in_dim3A_8, %add3A_12 in 1 : vector<1024x8xf32>, vector<1024x8xf32>, vector<1024x128xf32> -> vector<1024x144xf32>
    %swap3A = arith.constant 0 : index
    %swap3A_13 = arith.constant 0 : index
    %swap3A_14 = vector.load %arg8[%swap3A, %swap3A_13] : memref<1024x144xf32, #tpu.memory_space<vmem>>, vector<1024x144xf32>
    tpu.vector_store %arg8[%swap3A, %swap3A_13], %concatenate3A {strides = array<i32>} : memref<1024x144xf32, #tpu.memory_space<vmem>>, vector<1024x144xf32>,
    %get3A_15 = arith.constant 0 : index
    %get3A_16 = arith.constant 0 : index
    %get3A_17 = vector.load %arg4[%get3A_15, %get3A_16] : memref<128x16xf32, #tpu.memory_space<vmem>>, vector<128x16xf32>
    %dot_general3A_18 = arith.constant dense<0.000000e+00> : vector<1024x16xf32>
    %dot_general3A_19 = tpu.matmul %get3A_1, %get3A_17, %dot_general3A_18 {dimension_numbers = #tpu.dot_dimension_numbers<[1], [0], [0], [1], [0, 0, 1, 1], [], []>, precision = #tpu.contract_precision<fp32>, transpose_lhs_hint = false} : vector<1024x128xf32>, vector<128x16xf32>, vector<1024x16xf32> -> vector<1024x16xf32>
    %get3A_20 = arith.constant 0 : index
    %get3A_21 = arith.constant 0 : index
    %get3A_22 = vector.load %arg5[%get3A_20, %get3A_21] : memref<1x16xf32, #tpu.memory_space<vmem>>, vector<1x16xf32>
    %add3A_23 = vector.broadcast %get3A_22 : vector<1x16xf32> to vector<1024x16xf32>
    %add3A_24 = arith.addf %dot_general3A_19, %add3A_23 : vector<1024x16xf32>
    %swap3A_25 = arith.constant 0 : index
    %swap3A_26 = arith.constant 0 : index
    %swap3A_27 = vector.load %arg9[%swap3A_25, %swap3A_26] : memref<1024x16xf32, #tpu.memory_space<vmem>>, vector<1024x16xf32>
    tpu.vector_store %arg9[%swap3A_25, %swap3A_26], %add3A_24 {strides = array<i32>} : memref<1024x16xf32, #tpu.memory_space<vmem>>, vector<1024x16xf32>,
    %get3A_28 = arith.constant 0 : index
    %get3A_29 = arith.constant 0 : index
    %get3A_30 = vector.load %arg6[%get3A_28, %get3A_29] : memref<128x16xf32, #tpu.memory_space<vmem>>, vector<128x16xf32>
    %dot_general3A_31 = arith.constant dense<0.000000e+00> : vector<1024x16xf32>
    %dot_general3A_32 = tpu.matmul %get3A_1, %get3A_30, %dot_general3A_31 {dimension_numbers = #tpu.dot_dimension_numbers<[1], [0], [0], [1], [0, 0, 1, 1], [], []>, precision = #tpu.contract_precision<fp32>, transpose_lhs_hint = false} : vector<1024x128xf32>, vector<128x16xf32>, vector<1024x16xf32> -> vector<1024x16xf32>
    %get3A_33 = arith.constant 0 : index
    %get3A_34 = arith.constant 0 : index
    %get3A_35 = vector.load %arg7[%get3A_33, %get3A_34] : memref<1x16xf32, #tpu.memory_space<vmem>>, vector<1x16xf32>
    %add3A_36 = vector.broadcast %get3A_35 : vector<1x16xf32> to vector<1024x16xf32>
    %add3A_37 = arith.addf %dot_general3A_32, %add3A_36 : vector<1024x16xf32>
    %swap3A_38 = arith.constant 0 : index
    %swap3A_39 = arith.constant 0 : index
    %swap3A_40 = vector.load %arg10[%swap3A_38, %swap3A_39] : memref<1024x16xf32, #tpu.memory_space<vmem>>, vector<1024x16xf32>
    tpu.vector_store %arg10[%swap3A_38, %swap3A_39], %add3A_37 {strides = array<i32>} : memref<1024x16xf32, #tpu.memory_space<vmem>>, vector<1024x16xf32>,
    return
  }
  func.func @transform_0(%arg0: i32) -> (i32, i32) {
    %c0_i32 = arith.constant 0 : i32
    %c0_i32_0 = arith.constant 0 : i32
    return %arg0, %c0_i32 : i32, i32
  }
  func.func @transform_1(%arg0: i32) -> (i32, i32) {
    %c0_i32 = arith.constant 0 : i32
    %c0_i32_0 = arith.constant 0 : i32
    %c0_i32_1 = arith.constant 0 : i32
    return %c0_i32, %c0_i32_0 : i32, i32
  }
  func.func @transform_2(%arg0: i32) -> (i32, i32) {
    %c0_i32 = arith.constant 0 : i32
    %c0_i32_0 = arith.constant 0 : i32
    %c0_i32_1 = arith.constant 0 : i32
    return %c0_i32, %c0_i32_0 : i32, i32
  }
  func.func @transform_3(%arg0: i32) -> (i32, i32) {
    %c0_i32 = arith.constant 0 : i32
    %c0_i32_0 = arith.constant 0 : i32
    %c0_i32_1 = arith.constant 0 : i32
    return %c0_i32, %c0_i32_0 : i32, i32
  }
  func.func @transform_4(%arg0: i32) -> (i32, i32) {
    %c0_i32 = arith.constant 0 : i32
    %c0_i32_0 = arith.constant 0 : i32
    %c0_i32_1 = arith.constant 0 : i32
    return %c0_i32, %c0_i32_0 : i32, i32
  }
  func.func @transform_5(%arg0: i32) -> (i32, i32) {
    %c0_i32 = arith.constant 0 : i32
    %c0_i32_0 = arith.constant 0 : i32
    %c0_i32_1 = arith.constant 0 : i32
    return %c0_i32, %c0_i32_0 : i32, i32
  }
  func.func @transform_6(%arg0: i32) -> (i32, i32) {
    %c0_i32 = arith.constant 0 : i32
    %c0_i32_0 = arith.constant 0 : i32
    %c0_i32_1 = arith.constant 0 : i32
    return %c0_i32, %c0_i32_0 : i32, i32
  }
  func.func @transform_7(%arg0: i32) -> (i32, i32) {
    %c0_i32 = arith.constant 0 : i32
    %c0_i32_0 = arith.constant 0 : i32
    return %arg0, %c0_i32 : i32, i32
  }
  func.func @transform_8(%arg0: i32) -> (i32, i32) {
    %c0_i32 = arith.constant 0 : i32
    %c0_i32_0 = arith.constant 0 : i32
    return %arg0, %c0_i32 : i32, i32
  }
  func.func @transform_9(%arg0: i32) -> (i32, i32) {
    %c0_i32 = arith.constant 0 : i32
    %c0_i32_0 = arith.constant 0 : i32
    return %arg0, %c0_i32 : i32, i32
  }
}

module attributes {stable_mosaic.version = 14 : i64} {
  func.func @_epi_body(%arg0: i32, %arg1: memref<2x1000x8xf32, #tpu.memory_space<vmem>>, %arg2: memref<2x1000x128xf32, #tpu.memory_space<vmem>>, %arg3: memref<1000x128xf32, #tpu.memory_space<vmem>>, %arg4: memref<128x128xf32, #tpu.memory_space<vmem>>, %arg5: memref<1x128xf32, #tpu.memory_space<vmem>>, %arg6: memref<1x128xf32, #tpu.memory_space<vmem>>, %arg7: memref<1x128xf32, #tpu.memory_space<vmem>>, %arg8: memref<8x128xf32, #tpu.memory_space<vmem>>, %arg9: memref<1000x128xf32, #tpu.memory_space<vmem>>) attributes {dimension_semantics = [#tpu.dimension_semantics<arbitrary>], iteration_bounds = array<i64: 10>, scalar_prefetch = 0 : i64, scratch_operands = 0 : i64, tpu.core_type = #tpu.core_type<tc>, window_params = [{transform_indices = @transform_0, window_bounds = array<i64: 2, 1000, 8>}, {transform_indices = @transform_1, window_bounds = array<i64: 2, 1000, 128>}, {transform_indices = @transform_2, window_bounds = array<i64: 1000, 128>}, {pipeline_mode = #tpu.pipeline_mode<synchronous>, transform_indices = @transform_3, window_bounds = array<i64: 128, 128>}, {pipeline_mode = #tpu.pipeline_mode<synchronous>, transform_indices = @transform_4, window_bounds = array<i64: 1, 128>}, {pipeline_mode = #tpu.pipeline_mode<synchronous>, transform_indices = @transform_5, window_bounds = array<i64: 1, 128>}, {pipeline_mode = #tpu.pipeline_mode<synchronous>, transform_indices = @transform_6, window_bounds = array<i64: 1, 128>}, {pipeline_mode = #tpu.pipeline_mode<synchronous>, transform_indices = @transform_7, window_bounds = array<i64: 8, 128>}, {transform_indices = @transform_8, window_bounds = array<i64: 1000, 128>}]} {
    %get3A = arith.constant 0 : index
    %get3A_0 = arith.constant 0 : index
    %get3A_1 = arith.constant 0 : index
    %get3A_2 = vector.load %arg1[%get3A, %get3A_0, %get3A_1] : memref<2x1000x8xf32, #tpu.memory_space<vmem>>, vector<1x1000x8xf32>
    %get3A_3 = vector.shape_cast %get3A_2 : vector<1x1000x8xf32> to vector<1000x8xf32>
    %get3A_4 = arith.constant 1 : index
    %get3A_5 = arith.constant 0 : index
    %get3A_6 = arith.constant 0 : index
    %get3A_7 = vector.load %arg1[%get3A_4, %get3A_5, %get3A_6] : memref<2x1000x8xf32, #tpu.memory_space<vmem>>, vector<1x1000x8xf32>
    %get3A_8 = vector.shape_cast %get3A_7 : vector<1x1000x8xf32> to vector<1000x8xf32>
    %add3A = arith.addf %get3A_3, %get3A_8 : vector<1000x8xf32>
    %eq3A = arith.constant 0.000000e+00 : f32
    %eq3A_9 = vector.broadcast %eq3A : f32 to vector<1000x8xf32>
    %eq3A_10 = arith.cmpf oeq, %add3A, %eq3A_9 : vector<1000x8xf32>
    %jit3A = arith.constant 1.000000e+00 : f32
    %broadcast_in_dim3A = vector.broadcast %jit3A : f32 to vector<1000x8xf32>
    %select_n3A = arith.select %eq3A_10, %broadcast_in_dim3A, %add3A : vector<1000x8xi1>, vector<1000x8xf32>
    %div3A = arith.constant 1.000000e+00 : f32
    %div3A_11 = vector.broadcast %div3A : f32 to vector<1000x8xf32>
    %div3A_12 = arith.divf %div3A_11, %select_n3A : vector<1000x8xf32>
    %get3A_13 = arith.constant 0 : index
    %get3A_14 = arith.constant 0 : index
    %get3A_15 = vector.load %arg8[%get3A_13, %get3A_14] : memref<8x128xf32, #tpu.memory_space<vmem>>, vector<8x128xf32>
    %dot_general3A = arith.constant dense<0.000000e+00> : vector<1000x128xf32>
    %dot_general3A_16 = tpu.matmul %div3A_12, %get3A_15, %dot_general3A {dimension_numbers = #tpu.dot_dimension_numbers<[1], [0], [0], [1], [0, 0, 1, 1], [], []>, precision = #tpu.contract_precision<fp32>, transpose_lhs_hint = false} : vector<1000x8xf32>, vector<8x128xf32>, vector<1000x128xf32> -> vector<1000x128xf32>
    %get3A_17 = arith.constant 0 : index
    %get3A_18 = arith.constant 0 : index
    %get3A_19 = arith.constant 0 : index
    %get3A_20 = vector.load %arg2[%get3A_17, %get3A_18, %get3A_19] : memref<2x1000x128xf32, #tpu.memory_space<vmem>>, vector<1x1000x128xf32>
    %get3A_21 = vector.shape_cast %get3A_20 : vector<1x1000x128xf32> to vector<1000x128xf32>
    %get3A_22 = arith.constant 1 : index
    %get3A_23 = arith.constant 0 : index
    %get3A_24 = arith.constant 0 : index
    %get3A_25 = vector.load %arg2[%get3A_22, %get3A_23, %get3A_24] : memref<2x1000x128xf32, #tpu.memory_space<vmem>>, vector<1x1000x128xf32>
    %get3A_26 = vector.shape_cast %get3A_25 : vector<1x1000x128xf32> to vector<1000x128xf32>
    %add3A_27 = arith.addf %get3A_21, %get3A_26 : vector<1000x128xf32>
    %mul3A = arith.mulf %add3A_27, %dot_general3A_16 : vector<1000x128xf32>
    %get3A_28 = arith.constant 0 : index
    %get3A_29 = arith.constant 0 : index
    %get3A_30 = vector.load %arg4[%get3A_28, %get3A_29] : memref<128x128xf32, #tpu.memory_space<vmem>>, vector<128x128xf32>
    %dot_general3A_31 = arith.constant dense<0.000000e+00> : vector<1000x128xf32>
    %dot_general3A_32 = tpu.matmul %mul3A, %get3A_30, %dot_general3A_31 {dimension_numbers = #tpu.dot_dimension_numbers<[1], [0], [0], [1], [0, 0, 1, 1], [], []>, precision = #tpu.contract_precision<fp32>, transpose_lhs_hint = false} : vector<1000x128xf32>, vector<128x128xf32>, vector<1000x128xf32> -> vector<1000x128xf32>
    %get3A_33 = arith.constant 0 : index
    %get3A_34 = arith.constant 0 : index
    %get3A_35 = vector.load %arg5[%get3A_33, %get3A_34] : memref<1x128xf32, #tpu.memory_space<vmem>>, vector<1x128xf32>
    %add3A_36 = vector.broadcast %get3A_35 : vector<1x128xf32> to vector<1000x128xf32>
    %add3A_37 = arith.addf %dot_general3A_32, %add3A_36 : vector<1000x128xf32>
    %get3A_38 = arith.constant 0 : index
    %get3A_39 = arith.constant 0 : index
    %get3A_40 = vector.load %arg3[%get3A_38, %get3A_39] : memref<1000x128xf32, #tpu.memory_space<vmem>>, vector<1000x128xf32>
    %add3A_41 = arith.addf %add3A_37, %get3A_40 : vector<1000x128xf32>
    %reduce_sum3A = arith.constant dense<0.000000e+00> : vector<1000xf32>
    %reduce_sum3A_42 = vector.multi_reduction <add>, %add3A_41, %reduce_sum3A [1] : vector<1000x128xf32> to vector<1000xf32>
    %broadcast_in_dim3A_43 = vector.shape_cast %reduce_sum3A_42 : vector<1000xf32> to vector<1000x1xf32>
    %div3A_44 = arith.constant 1.280000e+02 : f32
    %div3A_45 = vector.broadcast %div3A_44 : f32 to vector<1000x1xf32>
    %div3A_46 = arith.divf %broadcast_in_dim3A_43, %div3A_45 : vector<1000x1xf32>
    %sub3A = vector.broadcast %div3A_46 : vector<1000x1xf32> to vector<1000x128xf32>
    %sub3A_47 = arith.subf %add3A_41, %sub3A : vector<1000x128xf32>
    %mul3A_48 = arith.mulf %sub3A_47, %sub3A_47 : vector<1000x128xf32>
    %reduce_sum3A_49 = arith.constant dense<0.000000e+00> : vector<1000xf32>
    %reduce_sum3A_50 = vector.multi_reduction <add>, %mul3A_48, %reduce_sum3A_49 [1] : vector<1000x128xf32> to vector<1000xf32>
    %broadcast_in_dim3A_51 = vector.shape_cast %reduce_sum3A_50 : vector<1000xf32> to vector<1000x1xf32>
    %div3A_52 = arith.constant 1.280000e+02 : f32
    %div3A_53 = vector.broadcast %div3A_52 : f32 to vector<1000x1xf32>
    %div3A_54 = arith.divf %broadcast_in_dim3A_51, %div3A_53 : vector<1000x1xf32>
    %add3A_55 = arith.constant 9.99999974E-6 : f32
    %add3A_56 = vector.broadcast %add3A_55 : f32 to vector<1000x1xf32>
    %add3A_57 = arith.addf %div3A_54, %add3A_56 : vector<1000x1xf32>
    %rsqrt3A = math.rsqrt %add3A_57 : vector<1000x1xf32>
    %mul3A_58 = vector.broadcast %rsqrt3A : vector<1000x1xf32> to vector<1000x128xf32>
    %mul3A_59 = arith.mulf %sub3A_47, %mul3A_58 : vector<1000x128xf32>
    %get3A_60 = arith.constant 0 : index
    %get3A_61 = arith.constant 0 : index
    %get3A_62 = vector.load %arg6[%get3A_60, %get3A_61] : memref<1x128xf32, #tpu.memory_space<vmem>>, vector<1x128xf32>
    %mul3A_63 = vector.broadcast %get3A_62 : vector<1x128xf32> to vector<1000x128xf32>
    %mul3A_64 = arith.mulf %mul3A_59, %mul3A_63 : vector<1000x128xf32>
    %get3A_65 = arith.constant 0 : index
    %get3A_66 = arith.constant 0 : index
    %get3A_67 = vector.load %arg7[%get3A_65, %get3A_66] : memref<1x128xf32, #tpu.memory_space<vmem>>, vector<1x128xf32>
    %add3A_68 = vector.broadcast %get3A_67 : vector<1x128xf32> to vector<1000x128xf32>
    %add3A_69 = arith.addf %mul3A_64, %add3A_68 : vector<1000x128xf32>
    %swap3A = arith.constant 0 : index
    %swap3A_70 = arith.constant 0 : index
    %swap3A_71 = vector.load %arg9[%swap3A, %swap3A_70] : memref<1000x128xf32, #tpu.memory_space<vmem>>, vector<1000x128xf32>
    tpu.vector_store %arg9[%swap3A, %swap3A_70], %add3A_69 {strides = array<i32>} : memref<1000x128xf32, #tpu.memory_space<vmem>>, vector<1000x128xf32>,
    return
  }
  func.func @transform_0(%arg0: i32) -> (i32, i32, i32) {
    %c0_i32 = arith.constant 0 : i32
    %c0_i32_0 = arith.constant 0 : i32
    %c0_i32_1 = arith.constant 0 : i32
    return %c0_i32, %arg0, %c0_i32_0 : i32, i32, i32
  }
  func.func @transform_1(%arg0: i32) -> (i32, i32, i32) {
    %c0_i32 = arith.constant 0 : i32
    %c0_i32_0 = arith.constant 0 : i32
    %c0_i32_1 = arith.constant 0 : i32
    return %c0_i32, %arg0, %c0_i32_0 : i32, i32, i32
  }
  func.func @transform_2(%arg0: i32) -> (i32, i32) {
    %c0_i32 = arith.constant 0 : i32
    %c0_i32_0 = arith.constant 0 : i32
    return %arg0, %c0_i32 : i32, i32
  }
  func.func @transform_3(%arg0: i32) -> (i32, i32) {
    %c0_i32 = arith.constant 0 : i32
    %c0_i32_0 = arith.constant 0 : i32
    %c0_i32_1 = arith.constant 0 : i32
    return %c0_i32, %c0_i32_0 : i32, i32
  }
  func.func @transform_4(%arg0: i32) -> (i32, i32) {
    %c0_i32 = arith.constant 0 : i32
    %c0_i32_0 = arith.constant 0 : i32
    %c0_i32_1 = arith.constant 0 : i32
    return %c0_i32, %c0_i32_0 : i32, i32
  }
  func.func @transform_5(%arg0: i32) -> (i32, i32) {
    %c0_i32 = arith.constant 0 : i32
    %c0_i32_0 = arith.constant 0 : i32
    %c0_i32_1 = arith.constant 0 : i32
    return %c0_i32, %c0_i32_0 : i32, i32
  }
  func.func @transform_6(%arg0: i32) -> (i32, i32) {
    %c0_i32 = arith.constant 0 : i32
    %c0_i32_0 = arith.constant 0 : i32
    %c0_i32_1 = arith.constant 0 : i32
    return %c0_i32, %c0_i32_0 : i32, i32
  }
  func.func @transform_7(%arg0: i32) -> (i32, i32) {
    %c0_i32 = arith.constant 0 : i32
    %c0_i32_0 = arith.constant 0 : i32
    %c0_i32_1 = arith.constant 0 : i32
    return %c0_i32, %c0_i32_0 : i32, i32
  }
  func.func @transform_8(%arg0: i32) -> (i32, i32) {
    %c0_i32 = arith.constant 0 : i32
    %c0_i32_0 = arith.constant 0 : i32
    return %arg0, %c0_i32 : i32, i32
  }
}

</mosaic_0001>

<sc_bundles>
// kernel: kernel.5.cloned.1.call-start
scs
__scs_entry_jumppad:
0x0: {  	(pc) =	sbr.rel $0x88, $3  }
0x1: {  	(tag) =	ssettag $0x0;
	lr =	simm.s32 $0x1  }
0x2: {  	[smem:$0x3F94] =	sst lr;
	_ =	strace $0xD0000000  }
0x3: {  	_ = 	snop  }
0x4: {  	_ = 	snop  }
0x5: {  	_ = 	snop  }
0x6: {  	_ = 	snop  }
0x7: {  	_ = 	snop  }
__scs_overlays_trampoline_lowered:
0x8: {  	[smem:$0x3FA3] =	sst s0  }
0x9: {  	[smem:$0x3FA4] =	sst s1  }
0xa: {  	[smem:$0x3FA5] =	sst s2  }
0xb: {  	[smem:$0x3FA6] =	sst s3  }
0xc: {  	[smem:$0x3FA7] =	sst s4  }
0xd: {  	[smem:$0x3FA8] =	sst s5  }
0xe: {  	[smem:$0x3FA9] =	sst s6  }
0xf: {  	[smem:$0x3FAA] =	sst s7  }
0x10: {  	[smem:$0x3FAB] =	sst s8  }
0x11: {  	[smem:$0x3FAC] =	sst s9;
	s0 =	simm.s32 @!p0 $0x0  }
0x12: {  	s1 =	sld [smem:$0x3F92];
	s0 =	simm.s32 @p0 $0x1  }
0x13: {  	[smem:$0x3FAD] =	sst s0;
	s0 =	simm.s32 @!p1 $0x0  }
0x14: {  	s2 =	sld [smem:$0x3F91];
	s0 =	simm.s32 @p1 $0x1  }
0x15: {  	[smem:$0x3FAE] =	sst s0;
	s0 =	simm.s32 @!p2 $0x0  }
0x16: {  	s3 =	sld [smem:$0x3FDB];
	s0 =	simm.s32 @p2 $0x1  }
0x17: {  	s4 =	simm.s32 $0x1BF5;
	[smem:$0x3FB0] =	sst s0  }
0x18: {  	s0 =	sld [smem:$0x3F93];
	_ =	swait.ge [sflag:s4], $0x0  }
0x19: {  	s7 =	sld [smem:$0x3F94]  }
0x1a: {  	s8 =	sadd.s32 $0xFFFFE003, lr  }
0x1b: {  	s9 =	sadd.s32 $0xFFFFFEF7, lr;
	s5 =	simm.s32 $0xFFFFFFFF;
	p2 =	slt.u32 s8, $0xFFFFF086  }
0x1c: {  	p1 =	slt.u32 s9, $0xF7A;
	s5 =	simm.s32 @!p2 $0x0  }
0x1d: {  	s5 =	simm.s32 @p1 $0x1;
	p0 =	seq.s32 s7, s2  }
0x1e: {  	s7 =	smul.u32 @!p0 $0xF7A, s2;
	p2 =	seq.s32 @!p0 s5, $0x0  }
0x1f: {  	s9 =	smul.u32 $0xF7A, s1;
	s8 =	simm.s32 @!p0 $0x1BF5;
	p2 =	por !p2, p0  }
0x20: {  	[sflag:s8] =	ssyncset.s32 @!p0 $0xFFFFF086;
	s6 =	sadd.s32 @!p0 s3, s7;
	s7 =	simm.s32 @!p0 $0x108  }
0x21: {  	s3 =	sadd.s32 s3, s9;
	s6 =	sadd.s32 @!p0 $0x88, s6;
	s7 =	simm.s32 @p2 $0x1082  }
0x22: {  	[simem:s7], [sflag:s8] =	dma.local @!p0 [hbm:s6], $0xF7A  }
0x23: {  	s9 =	sor.u32 $0xD0000000, s2;
	s6 =	simm.s32 $0x108;
	_ =	swait.ge @!p0 [sflag:s8], $0x0  }
0x24: {  	s3 =	sadd.s32 $0x88, s3;
	s6 =	simm.s32 @!p1 $0x1082;
	[sflag:s4] =	ssyncset.s32 $0xFFFFF086  }
0x25: {  	[simem:s6], [sflag:s4] =	dma.local [hbm:s3], $0xF7A  }
0x26: {  	[smem:$0x3F94] =	sst s1;
	(tag) =	ssettag s2;
	_ =	strace s9  }
0x27: {  	s1 =	sld [smem:$0x3FA4]  }
0x28: {  	s2 =	sld [smem:$0x3FA5]  }
0x29: {  	s4 =	sld [smem:$0x3FA7]  }
0x2a: {  	p0 =	seq.s32 s5, $0x0;
	s5 =	sld [smem:$0x3FA8]  }
0x2b: {  	s6 =	sld [smem:$0x3FA9]  }
0x2c: {  	s7 =	sld [smem:$0x3FAA]  }
0x2d: {  	s3 =	simm.s32 $0x108;
	s8 =	sld [smem:$0x3FAB]  }
0x2e: {  	s3 =	simm.s32 @!p0 $0x1082;
	s9 =	sld [smem:$0x3FAC]  }
0x2f: {  	lr =	sadd.s32 s0, s3;
	s0 =	sld [smem:$0x3FA3]  }
0x30: {  	s3 =	sld [smem:$0x3FA6]  }
0x31: {  	[smem:$0x3FAF] =	sst s10  }
0x32: {  	s10 =	sld [smem:$0x3FAD];
	_ =	sdelay $0x3  }
0x33: {  	p0 =	seq.s32 s10, $0x1;
	s10 =	sld [smem:$0x3FAF];
	_ =	sdelay $0x3  }
0x34: {  	[smem:$0x3FAF] =	sst s10  }
0x35: {  	s10 =	sld [smem:$0x3FAE];
	_ =	sdelay $0x3  }
0x36: {  	p1 =	seq.s32 s10, $0x1;
	s10 =	sld [smem:$0x3FAF];
	_ =	sdelay $0x3  }
0x37: {  	[smem:$0x3FAF] =	sst s10  }
0x38: {  	s10 =	sld [smem:$0x3FB0]  }
0x39: {  	_ = 	snop;
	(pc) =	sbr.ind lr, $3  }
0x3a: {  	_ = 	snop  }
0x3b: {  	_ = 	snop  }
0x3c: {  	p2 =	seq.s32 s10, $0x1;
	s10 =	sld [smem:$0x3FAF]  }
0x3d: {  	_ =	shalt  }
0x3e: {  	_ =	shalt  }
0x3f: {  	_ =	shalt  }
0x40: {  	_ =	shalt  }
0x41: {  	_ =	shalt  }
0x42: {  	_ =	shalt  }
0x43: {  	_ =	shalt  }
0x44: {  	_ =	shalt  }
0x45: {  	_ =	shalt  }
0x46: {  	_ =	shalt  }
0x47: {  	_ =	shalt  }
0x48: {  	_ =	shalt  }
0x49: {  	_ =	shalt  }
0x4a: {  	_ =	shalt  }
0x4b: {  	_ =	shalt  }
0x4c: {  	_ =	shalt  }
0x4d: {  	_ =	shalt  }
0x4e: {  	_ =	shalt  }
0x4f: {  	_ =	shalt  }
0x50: {  	_ =	shalt  }
0x51: {  	_ =	shalt  }
0x52: {  	_ =	shalt  }
0x53: {  	_ =	shalt  }
0x54: {  	_ =	shalt  }
0x55: {  	_ =	shalt  }
0x56: {  	_ =	shalt  }
0x57: {  	_ =	shalt  }
0x58: {  	_ =	shalt  }
0x59: {  	_ =	shalt  }
0x5a: {  	_ =	shalt  }
0x5b: {  	_ =	shalt  }
0x5c: {  	_ =	shalt  }
0x5d: {  	_ =	shalt  }
0x5e: {  	_ =	shalt  }
0x5f: {  	_ =	shalt  }
0x60: {  	_ =	shalt  }
0x61: {  	_ =	shalt  }
0x62: {  	_ =	shalt  }
0x63: {  	_ =	shalt  }
0x64: {  	_ =	shalt  }
0x65: {  	_ =	shalt  }
0x66: {  	_ =	shalt  }
0x67: {  	_ =	shalt  }
0x68: {  	_ =	shalt  }
0x69: {  	_ =	shalt  }
0x6a: {  	_ =	shalt  }
0x6b: {  	_ =	shalt  }
0x6c: {  	_ =	shalt  }
0x6d: {  	_ =	shalt  }
0x6e: {  	_ =	shalt  }
0x6f: {  	_ =	shalt  }
0x70: {  	_ =	shalt  }
0x71: {  	_ =	shalt  }
0x72: {  	_ =	shalt  }
0x73: {  	_ =	shalt  }
0x74: {  	_ =	shalt  }
0x75: {  	_ =	shalt  }
0x76: {  	_ =	shalt  }
0x77: {  	_ =	shalt  }
0x78: {  	_ =	shalt  }
0x79: {  	_ =	shalt  }
0x7a: {  	_ =	shalt  }
0x7b: {  	_ =	shalt  }
0x7c: {  	_ =	shalt  }
0x7d: {  	_ =	shalt  }
0x7e: {  	_ =	shalt  }
0x7f: {  	_ =	shalt  }
0x80: {  	_ =	shalt  }
0x81: {  	_ =	shalt  }
0x82: {  	_ =	shalt  }
0x83: {  	_ =	shalt  }
0x84: {  	_ =	shalt  }
0x85: {  	_ =	shalt  }
0x86: {  	_ =	shalt  }
0x87: {  	_ =	shalt  }
.Lfunc_end0:
.L_simem_size_0:
called_computation_lowered:
.L_overlay_start_0:
0x88: {  	s2 =	sld [smem:$0x3FD9]  }
0x89: {  	s3 =	sld [smem:$0x3FFE];
	_ =	sdelay $0x1  }
0x8a: {  	s1 =	srdreg.scid  }
0x8b: {  	s0 =	sand.u32 $0x1, s1  }
0x8c: {  	s17 =	sshll.u32 s0, $0xA;
	s2 =	sadd.s32 s3, s2  }
0x8d: {  	s2 =	sadd.s32 s2, s17  }
0x8e: {  	[smem:$0x3FBB] =	sst s2  }
0x8f: {  	_ = 	snop  }
0x90: {  	s2 =	sld [smem:$0x3FD0];
	(tm) =	ssettm $0x1  }
0x91: {  	s18 =	sld [smem:$0x3FFB];
	_ =	sdelay $0x3  }
0x92: {  	_ =	strace s18  }
0x93: {  	s3 =	sld [smem:$0x3FFC];
	_ =	sdelay $0x3  }
0x94: {  	_ =	strace s3  }
0x95: {  	s3 =	sld [smem:$0x3FFD];
	_ =	sdelay $0x3  }
0x96: {  	_ =	strace s3  }
0x97: {  	_ =	strace $0x8FFFFFFF  }
0x98: {  	s19 =	sld [smem:$0x3FDB];
	_ =	sdelay $0x1  }
0x99: {  	s4 =	simm.s32 $_scs_section_size  }
0x9a: {  	s5 =	simm.s32 $_size__tile_overlayer_lowered;
	s6 =	simm.s32 $_tile_overlayer_lowered  }
0x9b: {  	s22 =	simm.s32 $0x1BFF;
	s21 =	sshll.u32 s6, $0x1;
	s3 =	sadd.s32 s4, s19  }
0x9c: {  	s7 =	simm.s32 $0x0;
	s20 =	sshll.u32 s5, $0x1;
	s5 =	sadd.s32 s21, s3  }
0x9d: {  	[timem:s7], [sflag:s22] =	dma.local [hbm:s5], s20  }
0x9e: {  	_ =	swait.ge [sflag:s22], s20  }
0x9f: {  	s4 =	ssub.s32 $0x0, s20;
	[sflag:s22] =	ssyncset.done $0x0  }
0xa0: {  	[sflag:s22] =	ssyncadd.s32 s4;
	_ =	sdelay $0x1  }
0xa1: {  	s23 =	simm.s32 $0x1B8B  }
0xa2: {  	_ =	swait.ge [sflag:s23], $0x1  }
0xa3: {  	[sflag:s23] =	ssyncset.done $0x0  }
0xa4: {  	s25 =	simm.s32 $0x1B8E;
	s24 =	sld [smem:$0x3FFE];
	[sflag:s23] =	ssyncadd.s32 $0xFFFFFFFF  }
0xa5: {  	s26 =	simm.s32 $execute0_lowered;
	[smem:$0x3FD2] =	sst s25  }
0xa6: {  	s5 =	sshll.u32 s26, $0x1;
	_ =	strace $0x80000046;
	[dreg:$0x1] =	wrdreg $0xFFFFFFFF  }
0xa7: {  	s28 =	simm.s32 $_size_execute0_lowered;
	s3 =	sadd.s32 s3, s5;
	[dreg:$0x0] =	wrdreg $0x0  }
0xa8: {  	s5 =	sshll.u32 s28, $0x1;
	[dreg:$0x2] =	wrdreg s3  }
0xa9: {  	[dreg:$0x3] =	wrdreg s5  }
0xaa: {  	[dreg:$0x4] =	wrdreg $0xC0  }
0xab: {  	_ =	task [dreg:s7], $0x5FFFF  }
0xac: {  	[dreg:$0x1] =	wrdreg $0xFFFFFFFF  }
0xad: {  	[dreg:$0x0] =	wrdreg $0x60  }
0xae: {  	[dreg:$0x2] =	wrdreg s24  }
0xaf: {  	[dreg:$0x3] =	wrdreg s2  }
0xb0: {  	[dreg:$0x4] =	wrdreg $0x85200  }
0xb1: {  	[dreg:$0x5] =	wrdreg $0x9  }
0xb2: {  	_ =	task.clear_ibuf [dreg:s7], $0x6FFFF;
	_ =	strace $0x90000046  }
0xb3: {  	s29 =	simm.s32 $0x9;
	_ =	strace $0x80000048  }
0xb4: {  	_ =	swait.ge [sflag:s29], $0x1  }
0xb5: {  	[sflag:s29] =	ssyncadd.s32 $0xFFFFFFFF  }
0xb6: {  	_ =	strace $0x90000048  }
0xb7: {  	_ =	sfence  }
0xb8: {  	s30 =	sld [smem:$0x0];
	_ =	sdelay $0x2  }
0xb9: {  	s31 =	sshll.u32 s1, $0xD;
	s1 =	sshrl.u32 s1, $0x2  }
0xba: {  	s3 =	sand.u32 $0x4000, s31;
	s1 =	sadd.s32 s1, s30  }
0xbb: {  	s0 =	sor.u32 s3, s0;
	s1 =	sshll.u32 s1, $0x11  }
0xbc: {  	s0 =	sor.u32 s1, s0  }
0xbd: {  	s0 =	sadd.s32 $0x8F2B, s0  }
0xbe: {  	[sflag:s0] =	ssyncadd.remote.s32 $0x1  }
0xbf: {  	_ =	sfence.sel $0xFFFF  }
0xc0: {  	[dreg:$0x0] =	wrdreg $0xFFFFFFFF;
	(pc) =	sbr.abs _section_cstart, $3  }
0xc1: {  	[dreg:$0x1] =	wrdreg $0xFFFFFFFF  }
0xc2: {  	_ =	task.clear_ibuf [dreg:s7], $0x2FFFF;
	_ =	strace $0x9FFFFFFF  }
0xc3: {  	(tm) =	ssettm $0x7FFFFFFF  }
tec
execute0_lowered:
.L_overlay_start_1:
0x0: {  	(tag) =	ssettag $0x1  }
0x1: {  	s0 =	srdreg.scid  }
0x2: {  	s1 =	rddreg [dreg:$0x0];
	s12 =	stileid.u32  }
0x3: {  	s7 =	rddreg [dreg:$0x1];
	s14 =	simm.s32 $0x9;
	s16 =	simm.s32 $0x28  }
0x4: {  	s19 =	simm.s32 $0x5820;
	s20 =	simm.s32 $0x50A0;
	s21 =	simm.s32 $0x55A0  }
0x5: {  	s22 =	simm.s32 $0x6EA0;
	s23 =	simm.s32 $0x1;
	s28 =	simm.s32 $0x4  }
0x6: {  	s29 =	simm.s32 $0x6;
	s30 =	simm.s32 $0x7;
	s31 =	simm.s32 $0x8  }
0x7: {  	s0 =	sand.u32 $0x1, s0;
	s8 =	smul.u32 $0x16800, s12;
	s4 =	sadd.s32 $0x6000, s1  }
0x8: {  	s5 =	sadd.s32 $0x1000, s1;
	s13 =	sadd.s32 $0x14E00, s1;
	s26 =	sshll.u32 s12, $0x6  }
0x9: {  	s2 =	sshll.u32 s0, $0x4;
	s6 =	smul.u32 $0x168000, s0;
	s0 =	ssub.s32 $0x2, s0  }
0xa: {  	s3 =	sor.u32 s12, s2;
	s2 =	rddreg [dreg:$0x2];
	s24 =	sshrl.u32 s0, $0x1  }
0xb: {  	s9 =	smul.u32 $0x4E2, s3;
	s3 =	simm.s32 $0x0;
	s11 =	sadd.s32 s8, s6  }
0xc: {  	s6 =	sadd.s32 $0x51000, s1;
	s0 =	ssub.s32 s0, s24;
	s25 =	sadd.s32 s8, s2  }
0xd: {  	s8 =	sor.u32 $0x1C09, s26;
	s24 =	simm.s32 $0x3;
	s26 =	simm.s32 $0x2  }
0xe: {  	[smem:$0x7FF] =	sst s3;
	s11 =	sshrl.u32 s11, $0x3;
	s12 =	smax.u32 s0, $0x1  }
0xf: {  	_ =	strace $0x80000047;
	s10 =	sadd.s32 s9, s1;
	[dreg:$0x4] =	wrdreg s13  }
0x10: {  	s1 =	sadd.s32 s11, s1;
	s7 =	sadd.s32 s7, s9;
	s13 =	sshrl.u32 s25, $0x3  }
0x11: {  	s25 =	simm.s32 $0x5;
	s10 =	sadd.s32 $0xB000, s10;
	[dreg:$0x6] =	wrdreg s7  }
0x12: {  	s11 =	sadd.s32 $0x7E000, s1;
	s1 =	simm.s32 $0x0;
	[dreg:$0x5] =	wrdreg s10  }
.LBB2_1:
0x13: {  	s0 =	rddreg [dreg:$0x4]  }
0x14: {  	[spmem:s13], [sflag:s8] =	dma.local [hbm:s0], $0x2D00  }
0x15: {  	_ =	swait.ge [sflag:s14], $0x2D00  }
0x16: {  	[sflag:s14] =	ssyncset.done $0x0  }
0x17: {  	s10 =	rddreg [dreg:$0x5];
	[sflag:s14] =	ssyncadd.s32 $0xFFFFD300  }
0x18: {  	[tilespmem:s3], [sflag:$0x9] =	stream.linear.gather [hbm4b:s10+s3], $0x2710, $0x38;
	[tilespmem:$0x1ED20] =	vst v63  }
0x19: {  	_ =	swait.ge [sflag:s14], $0x2710  }
0x1a: {  	[sflag:s14] =	ssyncset.done $0x0  }
0x1b: {  	s7 =	simm.s32 $0x2710;
	s15 =	rddreg [dreg:$0x6];
	[sflag:s14] =	ssyncadd.s32 $0xFFFFD8F0  }
0x1c: {  	[tilespmem:s7], [sflag:$0x9] =	stream.linear.gather [hbm4b:s15+s3], $0x2710, $0x38;
	[tilespmem:$0x1ED20] =	vst v63  }
0x1d: {  	_ =	swait.ge [sflag:s14], $0x2710  }
0x1e: {  	[sflag:s14] =	ssyncset.done $0x0  }
0x1f: {  	[sflag:s14] =	ssyncadd.s32 $0xFFFFD8F0  }
0x20: {  	s17 =	simm.s32 $0x4E20;
	[bflag:$0x0] =	sbarrier.arrive $0xFFFF  }
0x21: {  	[tilespmem:s17], [sflag:$0x1] =	stream.indirect.gather [hbm4b:s4+s16], $0x10, s7, s16, $0xb8;
	[tilespmem:$0x1ED20] =	vst v63  }
0x22: {  	s18 =	simm.s32 $0x5320  }
0x23: {  	[tilespmem:s18], [sflag:$0x3] =	stream.indirect.gather [hbm4b:s5+s16], $0x10, s3, s16, $0xb8;
	[tilespmem:$0x1ED20] =	vst v63  }
0x24: {  	s0 =	simm.s32 $0x0  }
0x25: {  	[tilespmem:s19], [sflag:$0x5] =	stream.indirect.gather [hbm4b:s6+s16], $0x90, s3, s16, $0xb8;
	[tilespmem:$0x1ED20] =	vst v63  }
.LBB2_2:
0x26: {  	p0 =	seq.s32 s0, $0x0  }
0x27: {  	s17 =	sshllo.u32 s0, $0x1;
	s7 =	simm.s32 @!p0 $0x8  }
0x28: {  	s9 =	smul.u32 $0x28, s17;
	_ =	swait.ge @!p0 [sflag:s7], $0x1680  }
0x29: {  	[sflag:s7] =	ssyncset.done @!p0 $0x0  }
0x2a: {  	s18 =	sadd.s32 $0x2710, s9;
	[sflag:s7] =	ssyncadd.s32 @!p0 $0xFFFFE980  }
0x2b: {  	[tilespmem:s20], [sflag:$0x2] =	stream.indirect.gather [hbm4b:s4+s16], $0x10, s18, s16, $0xb8;
	[tilespmem:$0x1ED20] =	vst v63  }
0x2c: {  	_ = 	snop  }
0x2d: {  	[tilespmem:s21], [sflag:$0x4] =	stream.indirect.gather [hbm4b:s5+s16], $0x10, s9, s16, $0xb8;
	[tilespmem:$0x1ED20] =	vst v63  }
0x2e: {  	_ = 	snop  }
0x2f: {  	[tilespmem:s22], [sflag:$0x6] =	stream.indirect.gather [hbm4b:s6+s16], $0x90, s9, s16, $0xb8;
	[tilespmem:$0x1ED20] =	vst v63  }
0x30: {  	_ =	swait.ge [sflag:s23], $0x280  }
0x31: {  	[sflag:s23] =	ssyncset.done $0x0  }
0x32: {  	[sflag:s23] =	ssyncadd.s32 $0xFFFFFD80  }
0x33: {  	_ =	swait.ge [sflag:s24], $0x280  }
0x34: {  	[sflag:s24] =	ssyncset.done $0x0  }
0x35: {  	[sflag:s24] =	ssyncadd.s32 $0xFFFFFD80  }
0x36: {  	_ =	swait.ge [sflag:s25], $0x1680  }
0x37: {  	[sflag:s25] =	ssyncset.done $0x0  }
0x38: {  	s7 =	simm.s32 $0x4E30;
	[sflag:s25] =	ssyncadd.s32 $0xFFFFE980  }
0x39: {  	s15 =	simm.s32 $0x5330;
	v0 =	vld [tilespmem:s7+$0xFFFFFFF0]  }
0x3a: {  	v1 =	vld [tilespmem:s15+$0xFFFFFFF0];
	_ =	sdelay $0x4  }
0x3b: {  	v0 =	vadd.f32 v1, v0;
	_ =	sdelay $0x1  }
0x3c: {  	v1 =	vmul.f32 $2.000000030e-01, v0;
	_ =	sdelay $0x1  }
0x3d: {  	v0 =	vmax.f32 v0, v1  }
0x3e: {  	v0 =	vmul.f32 $1.442695020e+00, v0;
	_ =	sdelay $0x1  }
0x3f: {  	(erf) = vpow2.f32 v0;
	_ =	sdelay $0x4  }
0x40: {  	s18 =	simm.s32 $0x58B0  }
0x41: {  	v10 =	vld [tilespmem:s18+$0xFFFFFF70]  }
0x42: {  	v55 =	vld [tilespmem:s18+$0xFFFFFF80]  }
0x43: {  	v2 =	vld [tilespmem:s18+$0xFFFFFFF0]  }
0x44: {  	v3 =	vld [tilespmem:s18+$0xFFFFFF90];
	v4 =	vpop (erf)  }
0x45: {  	v6 =	vld [tilespmem:s18+$0xFFFFFFC0];
	v5 =	vbroadcast v4, $0x0;
	v7 =	vbroadcast v4, $0x7  }
0x46: {  	v54 =	vld [tilespmem:s18+$0xFFFFFFD0];
	v9 =	vbroadcast v4, $0x1;
	v61 =	vmul.f32 v4, v10  }
0x47: {  	v57 =	vld [tilespmem:s18+$0xFFFFFFE0];
	v11 =	vbroadcast v4, $0x4;
	v1 =	vmul.f32 v5, v55  }
0x48: {  	v56 =	vld [tilespmem:s18+$0xFFFFFFA0];
	v58 =	vbroadcast v4, $0x3;
	v2 =	vmul.f32 v2, v7;
	[tilespmem:s18+$0xFFFFFF70] =	vst v61  }
0x49: {  	v8 =	vld [tilespmem:s18+$0xFFFFFFB0];
	v59 =	vbroadcast v4, $0x5;
	v3 =	vmul.f32 v9, v3;
	[tilespmem:s18+$0xFFFFFF80] =	vst v1  }
0x4a: {  	v60 =	vbroadcast v4, $0x6;
	v6 =	vmul.f32 v6, v11;
	[tilespmem:s18+$0xFFFFFFF0] =	vst v2  }
0x4b: {  	v4 =	vbroadcast v4, $0x2;
	v0 =	vmul.f32 v54, v59;
	[tilespmem:s18+$0xFFFFFF90] =	vst v3  }
0x4c: {  	v62 =	vmul.f32 v57, v60;
	[tilespmem:s18+$0xFFFFFFC0] =	vst v6  }
0x4d: {  	v63 =	vmul.f32 v56, v4;
	[tilespmem:s18+$0xFFFFFFD0] =	vst v0  }
0x4e: {  	v1 =	vmul.f32 v8, v58;
	[tilespmem:s18+$0xFFFFFFE0] =	vst v62  }
0x4f: {  	[tilespmem:s18+$0xFFFFFFA0] =	vst v63  }
0x50: {  	[tilespmem:s18+$0xFFFFFFB0] =	vst v1  }
0x51: {  	v0 =	vld [tilespmem:s7+$0x0]  }
0x52: {  	v1 =	vld [tilespmem:s15+$0x0];
	_ =	sdelay $0x4  }
0x53: {  	v0 =	vadd.f32 v1, v0;
	_ =	sdelay $0x1  }
0x54: {  	v1 =	vmul.f32 $2.000000030e-01, v0;
	_ =	sdelay $0x1  }
0x55: {  	v0 =	vmax.f32 v0, v1  }
0x56: {  	v0 =	vmul.f32 $1.442695020e+00, v0;
	_ =	sdelay $0x1  }
0x57: {  	(erf) = vpow2.f32 v0;
	_ =	sdelay $0x3  }
0x58: {  	s10 =	simm.s32 $0x59D0;
	s9 =	simm.s32 $0x0  }
.LBB2_3:
0x59: {  	s9 =	sadd.s32 $0x2, s9;
	v0 =	vld [tilespmem:s18+$0x20];
	s15 =	sadd.s32 $0x20, s15;
	s7 =	sadd.s32 $0x20, s7  }
0x5a: {  	p0 =	slt.u32 s9, $0x26;
	v1 =	vld [tilespmem:s18+$0x60]  }
0x5b: {  	v2 =	vld [tilespmem:s18+$0x30]  }
0x5c: {  	v3 =	vld [tilespmem:s18+$0x40]  }
0x5d: {  	v4 =	vld [tilespmem:s18+$0x50];
	v5 =	vpop (erf)  }
0x5e: {  	v6 =	vld [tilespmem:s18+$0x10];
	v7 =	vbroadcast v5, $0x0;
	v8 =	vbroadcast v5, $0x1  }
0x5f: {  	v9 =	vbroadcast v5, $0x2;
	v10 =	vbroadcast v5, $0x3;
	v11 =	vld [tilespmem:s18+$0x70]  }
0x60: {  	v12 =	vbroadcast v5, $0x4;
	v13 =	vbroadcast v5, $0x5;
	v14 =	vld [tilespmem:s18+$0x80]  }
0x61: {  	v15 =	vld [tilespmem:s18+$0x0];
	v3 =	vmul.f32 v3, v10;
	v10 =	vbroadcast v5, $0x6  }
0x62: {  	v4 =	vmul.f32 v4, v12;
	v12 =	vbroadcast v5, $0x7  }
0x63: {  	v2 =	vmul.f32 v2, v9;
	v6 =	vmul.f32 v7, v6;
	[tilespmem:s18+$0x40] =	vst v3  }
0x64: {  	v1 =	vmul.f32 v1, v13;
	[tilespmem:s18+$0x50] =	vst v4;
	v3 =	vmul.f32 v11, v10  }
0x65: {  	v0 =	vmul.f32 v8, v0;
	[tilespmem:s18+$0x30] =	vst v2;
	v2 =	vmul.f32 v14, v12  }
0x66: {  	v4 =	vmul.f32 v5, v15;
	[tilespmem:s18+$0x60] =	vst v1  }
0x67: {  	[tilespmem:s18+$0x20] =	vst v0  }
0x68: {  	[tilespmem:s18+$0x70] =	vst v3  }
0x69: {  	[tilespmem:s18+$0x0] =	vst v4  }
0x6a: {  	[tilespmem:s18+$0x10] =	vst v6  }
0x6b: {  	[tilespmem:s18+$0x80] =	vst v2;
	s18 =	smov.u32 s10  }
0x6c: {  	v0 =	vld [tilespmem:s7+$0xFFFFFFF0]  }
0x6d: {  	v1 =	vld [tilespmem:s15+$0xFFFFFFF0];
	_ =	sdelay $0x4  }
0x6e: {  	v0 =	vadd.f32 v1, v0;
	_ =	sdelay $0x1  }
0x6f: {  	v1 =	vmul.f32 $2.000000030e-01, v0;
	_ =	sdelay $0x1  }
0x70: {  	v0 =	vmax.f32 v0, v1  }
0x71: {  	v0 =	vmul.f32 $1.442695020e+00, v0;
	_ =	sdelay $0x1  }
0x72: {  	(erf) = vpow2.f32 v0;
	_ =	sdelay $0x4  }
0x73: {  	v0 =	vld [tilespmem:s10+$0xFFFFFFD0]  }
0x74: {  	v1 =	vld [tilespmem:s10+$0xFFFFFFF0]  }
0x75: {  	v2 =	vld [tilespmem:s10+$0xFFFFFF80]  }
0x76: {  	v3 =	vld [tilespmem:s10+$0xFFFFFF90]  }
0x77: {  	v4 =	vld [tilespmem:s10+$0xFFFFFFA0];
	v5 =	vpop (erf)  }
0x78: {  	v6 =	vbroadcast v5, $0x0;
	v7 =	vld [tilespmem:s10+$0xFFFFFFC0];
	v8 =	vbroadcast v5, $0x7  }
0x79: {  	v9 =	vbroadcast v5, $0x1;
	v10 =	vbroadcast v5, $0x2;
	v11 =	vld [tilespmem:s10+$0xFFFFFFB0]  }
0x7a: {  	v12 =	vld [tilespmem:s10+$0xFFFFFF70];
	v2 =	vmul.f32 v6, v2;
	v6 =	vbroadcast v5, $0x4  }
0x7b: {  	v1 =	vmul.f32 v1, v8;
	v3 =	vmul.f32 v9, v3;
	v9 =	vld [tilespmem:s10+$0xFFFFFFE0]  }
0x7c: {  	[tilespmem:s10+$0xFFFFFF80] =	vst v2;
	v2 =	vmul.f32 v4, v10;
	v4 =	vbroadcast v5, $0x3  }
0x7d: {  	v6 =	vmul.f32 v7, v6;
	v7 =	vbroadcast v5, $0x5;
	[tilespmem:s10+$0xFFFFFFF0] =	vst v1  }
0x7e: {  	[tilespmem:s10+$0xFFFFFF90] =	vst v3;
	v1 =	vmul.f32 v11, v4;
	v3 =	vbroadcast v5, $0x6  }
0x7f: {  	v4 =	vmul.f32 v5, v12;
	[tilespmem:s10+$0xFFFFFFC0] =	vst v6;
	v0 =	vmul.f32 v0, v7  }
0x80: {  	[tilespmem:s10+$0xFFFFFFB0] =	vst v1;
	v1 =	vmul.f32 v9, v3  }
0x81: {  	[tilespmem:s10+$0xFFFFFF70] =	vst v4  }
0x82: {  	[tilespmem:s10+$0xFFFFFFD0] =	vst v0  }
0x83: {  	[tilespmem:s10+$0xFFFFFFE0] =	vst v1  }
0x84: {  	[tilespmem:s10+$0xFFFFFFA0] =	vst v2  }
0x85: {  	v0 =	vld [tilespmem:s7+$0x0]  }
0x86: {  	v1 =	vld [tilespmem:s15+$0x0];
	_ =	sdelay $0x4  }
0x87: {  	v0 =	vadd.f32 v1, v0;
	_ =	sdelay $0x1  }
0x88: {  	v1 =	vmul.f32 $2.000000030e-01, v0;
	_ =	sdelay $0x1  }
0x89: {  	v0 =	vmax.f32 v0, v1  }
0x8a: {  	v0 =	vmul.f32 $1.442695020e+00, v0;
	_ =	sdelay $0x1  }
.Ltmp0:
0x8b: {  	(erf) = vpow2.f32 v0;
	(pc) =	sbr.rel @p0 .LBB2_3-.Ltmp0, $2  }
0x8c: {  	_ =	sdelay $0x2  }
0x8d: {  	s10 =	sadd.s32 $0x120, s10  }
0x8e: {  	_ =	sdelay $0x3  }
0x8f: {  	v11 =	vld [tilespmem:s18+$0x0];
	v4 =	vpop (erf)  }
0x90: {  	v1 =	vld [tilespmem:s18+$0x40];
	v6 =	vbroadcast v4, $0x3  }
0x91: {  	v2 =	vld [tilespmem:s18+$0x50];
	v8 =	vbroadcast v4, $0x4;
	v9 =	vbroadcast v4, $0x2  }
0x92: {  	v3 =	vld [tilespmem:s18+$0x30];
	v34 =	vbroadcast v4, $0x5;
	v35 =	vbroadcast v4, $0x1  }
0x93: {  	v5 =	vld [tilespmem:s18+$0x60];
	v36 =	vbroadcast v4, $0x6;
	v38 =	vbroadcast v4, $0x0  }
0x94: {  	v0 =	vld [tilespmem:s18+$0x20];
	v39 =	vbroadcast v4, $0x7;
	v4 =	vmul.f32 v4, v11  }
0x95: {  	v7 =	vld [tilespmem:s18+$0x10];
	v1 =	vmul.f32 v1, v6  }
0x96: {  	v12 =	vld [tilespmem:s18+$0x80];
	v2 =	vmul.f32 v2, v8;
	[tilespmem:s18+$0x0] =	vst v4  }
0x97: {  	v10 =	vld [tilespmem:s18+$0x70];
	v3 =	vmul.f32 v3, v9;
	[tilespmem:s18+$0x40] =	vst v1  }
0x98: {  	v37 =	vmul.f32 v5, v34;
	[tilespmem:s18+$0x50] =	vst v2  }
0x99: {  	v0 =	vmul.f32 v35, v0;
	[tilespmem:s18+$0x30] =	vst v3  }
0x9a: {  	v40 =	vmul.f32 v38, v7;
	[tilespmem:s18+$0x60] =	vst v37  }
0x9b: {  	s7 =	smul.u32 $0x140, s0;
	v41 =	vmul.f32 v12, v39;
	[tilespmem:s18+$0x20] =	vst v0  }
0x9c: {  	v1 =	vmul.f32 v10, v36;
	[tilespmem:s18+$0x10] =	vst v40  }
0x9d: {  	s7 =	sshra.s32 s7, $0x2;
	[tilespmem:s18+$0x80] =	vst v41  }
0x9e: {  	p0 =	seq.s32 s0, $0x7C;
	s7 =	sadd.s32 $0x2710, s7;
	[tilespmem:s18+$0x70] =	vst v1  }
0x9f: {  	[spmem:s2] =	stream.indirect.scatter.add.f32 [tilespmem:s19], [sflag:$0x7], $0x90, s7, s16, $0xb8;
	[tilespmem:$0x1ED20] =	vst v63  }
0xa0: {  	s7 =	simm.s32 @!p0 $0x7  }
0xa1: {  	s9 =	smul.u32 @!p0 $0x50, s0;
	_ =	swait.ge @!p0 [sflag:s7], $0x1680  }
0xa2: {  	s10 =	simm.s32 @!p0 $0x28;
	[sflag:s7] =	ssyncset.done @!p0 $0x0  }
0xa3: {  	s15 =	simm.s32 @!p0 $0x4E20;
	[sflag:s7] =	ssyncadd.s32 @!p0 $0xFFFFE980;
	s7 =	sadd.s32 @!p0 $0x2760, s9  }
0xa4: {  	[tilespmem:s15], [sflag:$0x1] =	stream.indirect.gather @!p0 [hbm4b:s4+s10], $0x10, s7, s10, $0xb8;
	[tilespmem:$0x1ED20] =	vst v63  }
0xa5: {  	s7 =	sadd.s32 @!p0 $0x50, s9;
	s9 =	simm.s32 @!p0 $0x5320  }
0xa6: {  	[tilespmem:s9], [sflag:$0x3] =	stream.indirect.gather @!p0 [hbm4b:s5+s10], $0x10, s7, s10, $0xb8;
	[tilespmem:$0x1ED20] =	vst v63  }
0xa7: {  	s9 =	simm.s32 @!p0 $0x5820  }
0xa8: {  	[tilespmem:s9], [sflag:$0x5] =	stream.indirect.gather @!p0 [hbm4b:s6+s10], $0x90, s7, s10, $0xb8;
	[tilespmem:$0x1ED20] =	vst v63  }
0xa9: {  	_ =	swait.ge [sflag:s26], $0x280  }
0xaa: {  	[sflag:s26] =	ssyncset.done $0x0  }
0xab: {  	[sflag:s26] =	ssyncadd.s32 $0xFFFFFD80  }
0xac: {  	_ =	swait.ge [sflag:s28], $0x280  }
0xad: {  	[sflag:s28] =	ssyncset.done $0x0  }
0xae: {  	[sflag:s28] =	ssyncadd.s32 $0xFFFFFD80  }
0xaf: {  	_ =	swait.ge [sflag:s29], $0x1680  }
0xb0: {  	[sflag:s29] =	ssyncset.done $0x0  }
0xb1: {  	s7 =	simm.s32 $0x50B0;
	[sflag:s29] =	ssyncadd.s32 $0xFFFFE980  }
0xb2: {  	s15 =	simm.s32 $0x55B0;
	v42 =	vld [tilespmem:s7+$0xFFFFFFF0]  }
0xb3: {  	v43 =	vld [tilespmem:s15+$0xFFFFFFF0];
	_ =	sdelay $0x4  }
0xb4: {  	v0 =	vadd.f32 v43, v42;
	_ =	sdelay $0x1  }
0xb5: {  	v1 =	vmul.f32 $2.000000030e-01, v0;
	_ =	sdelay $0x1  }
0xb6: {  	v0 =	vmax.f32 v0, v1  }
0xb7: {  	v0 =	vmul.f32 $1.442695020e+00, v0;
	_ =	sdelay $0x1  }
0xb8: {  	(erf) = vpow2.f32 v0;
	_ =	sdelay $0x4  }
0xb9: {  	s18 =	simm.s32 $0x6F30  }
0xba: {  	v54 =	vld [tilespmem:s18+$0xFFFFFF70]  }
0xbb: {  	v45 =	vld [tilespmem:s18+$0xFFFFFF80]  }
0xbc: {  	v46 =	vld [tilespmem:s18+$0xFFFFFFF0]  }
0xbd: {  	v47 =	vld [tilespmem:s18+$0xFFFFFF90];
	v48 =	vpop (erf)  }
0xbe: {  	v50 =	vld [tilespmem:s18+$0xFFFFFFC0];
	v49 =	vbroadcast v48, $0x0  }
0xbf: {  	v44 =	vld [tilespmem:s18+$0xFFFFFFD0];
	v51 =	vbroadcast v48, $0x7;
	v61 =	vmul.f32 v48, v54  }
0xc0: {  	v57 =	vld [tilespmem:s18+$0xFFFFFFE0];
	v53 =	vbroadcast v48, $0x1;
	v1 =	vmul.f32 v49, v45  }
0xc1: {  	v55 =	vld [tilespmem:s18+$0xFFFFFFA0];
	v56 =	vbroadcast v48, $0x4;
	v2 =	vmul.f32 v46, v51;
	[tilespmem:s18+$0xFFFFFF70] =	vst v61  }
0xc2: {  	v52 =	vld [tilespmem:s18+$0xFFFFFFB0];
	v59 =	vbroadcast v48, $0x5;
	v3 =	vmul.f32 v53, v47;
	[tilespmem:s18+$0xFFFFFF80] =	vst v1  }
0xc3: {  	v60 =	vbroadcast v48, $0x6;
	v6 =	vmul.f32 v50, v56;
	[tilespmem:s18+$0xFFFFFFF0] =	vst v2  }
0xc4: {  	v4 =	vbroadcast v48, $0x2;
	v0 =	vmul.f32 v44, v59;
	[tilespmem:s18+$0xFFFFFF90] =	vst v3  }
0xc5: {  	v58 =	vbroadcast v48, $0x3;
	v62 =	vmul.f32 v57, v60;
	[tilespmem:s18+$0xFFFFFFC0] =	vst v6  }
0xc6: {  	v63 =	vmul.f32 v55, v4;
	[tilespmem:s18+$0xFFFFFFD0] =	vst v0  }
0xc7: {  	v1 =	vmul.f32 v52, v58;
	[tilespmem:s18+$0xFFFFFFE0] =	vst v62  }
0xc8: {  	[tilespmem:s18+$0xFFFFFFA0] =	vst v63  }
0xc9: {  	[tilespmem:s18+$0xFFFFFFB0] =	vst v1  }
0xca: {  	v0 =	vld [tilespmem:s7+$0x0]  }
0xcb: {  	v1 =	vld [tilespmem:s15+$0x0];
	_ =	sdelay $0x4  }
0xcc: {  	v0 =	vadd.f32 v1, v0;
	_ =	sdelay $0x1  }
0xcd: {  	v1 =	vmul.f32 $2.000000030e-01, v0;
	_ =	sdelay $0x1  }
0xce: {  	v0 =	vmax.f32 v0, v1  }
0xcf: {  	v0 =	vmul.f32 $1.442695020e+00, v0;
	_ =	sdelay $0x1  }
0xd0: {  	(erf) = vpow2.f32 v0;
	_ =	sdelay $0x3  }
0xd1: {  	s9 =	simm.s32 $0x0;
	s10 =	simm.s32 $0x7050  }
.LBB2_5:
0xd2: {  	s9 =	sadd.s32 $0x2, s9;
	v0 =	vld [tilespmem:s18+$0x20];
	s15 =	sadd.s32 $0x20, s15;
	s7 =	sadd.s32 $0x20, s7  }
0xd3: {  	p0 =	slt.u32 s9, $0x26;
	v1 =	vld [tilespmem:s18+$0x60]  }
0xd4: {  	v2 =	vld [tilespmem:s18+$0x30]  }
0xd5: {  	v3 =	vld [tilespmem:s18+$0x40]  }
0xd6: {  	v4 =	vld [tilespmem:s18+$0x50];
	v5 =	vpop (erf)  }
0xd7: {  	v6 =	vld [tilespmem:s18+$0x10];
	v7 =	vbroadcast v5, $0x0;
	v8 =	vbroadcast v5, $0x1  }
0xd8: {  	v9 =	vbroadcast v5, $0x2;
	v10 =	vbroadcast v5, $0x3;
	v11 =	vld [tilespmem:s18+$0x70]  }
0xd9: {  	v12 =	vbroadcast v5, $0x4;
	v13 =	vbroadcast v5, $0x5;
	v14 =	vld [tilespmem:s18+$0x80]  }
0xda: {  	v15 =	vld [tilespmem:s18+$0x0];
	v3 =	vmul.f32 v3, v10;
	v10 =	vbroadcast v5, $0x6  }
0xdb: {  	v4 =	vmul.f32 v4, v12;
	v12 =	vbroadcast v5, $0x7  }
0xdc: {  	v2 =	vmul.f32 v2, v9;
	v6 =	vmul.f32 v7, v6;
	[tilespmem:s18+$0x40] =	vst v3  }
0xdd: {  	v1 =	vmul.f32 v1, v13;
	[tilespmem:s18+$0x50] =	vst v4;
	v3 =	vmul.f32 v11, v10  }
0xde: {  	v0 =	vmul.f32 v8, v0;
	[tilespmem:s18+$0x30] =	vst v2;
	v2 =	vmul.f32 v14, v12  }
0xdf: {  	v4 =	vmul.f32 v5, v15;
	[tilespmem:s18+$0x60] =	vst v1  }
0xe0: {  	[tilespmem:s18+$0x20] =	vst v0  }
0xe1: {  	[tilespmem:s18+$0x70] =	vst v3  }
0xe2: {  	[tilespmem:s18+$0x0] =	vst v4  }
0xe3: {  	[tilespmem:s18+$0x10] =	vst v6  }
0xe4: {  	[tilespmem:s18+$0x80] =	vst v2;
	s18 =	smov.u32 s10  }
0xe5: {  	v0 =	vld [tilespmem:s7+$0xFFFFFFF0]  }
0xe6: {  	v1 =	vld [tilespmem:s15+$0xFFFFFFF0];
	_ =	sdelay $0x4  }
0xe7: {  	v0 =	vadd.f32 v1, v0;
	_ =	sdelay $0x1  }
0xe8: {  	v1 =	vmul.f32 $2.000000030e-01, v0;
	_ =	sdelay $0x1  }
0xe9: {  	v0 =	vmax.f32 v0, v1  }
0xea: {  	v0 =	vmul.f32 $1.442695020e+00, v0;
	_ =	sdelay $0x1  }
0xeb: {  	(erf) = vpow2.f32 v0;
	_ =	sdelay $0x4  }
0xec: {  	v0 =	vld [tilespmem:s10+$0xFFFFFFD0]  }
0xed: {  	v1 =	vld [tilespmem:s10+$0xFFFFFFF0]  }
0xee: {  	v2 =	vld [tilespmem:s10+$0xFFFFFF80]  }
0xef: {  	v3 =	vld [tilespmem:s10+$0xFFFFFF90]  }
0xf0: {  	v4 =	vld [tilespmem:s10+$0xFFFFFFA0];
	v5 =	vpop (erf)  }
0xf1: {  	v6 =	vbroadcast v5, $0x0;
	v7 =	vld [tilespmem:s10+$0xFFFFFFC0];
	v8 =	vbroadcast v5, $0x7  }
0xf2: {  	v9 =	vbroadcast v5, $0x1;
	v10 =	vbroadcast v5, $0x2;
	v11 =	vld [tilespmem:s10+$0xFFFFFFB0]  }
0xf3: {  	v12 =	vld [tilespmem:s10+$0xFFFFFF70];
	v2 =	vmul.f32 v6, v2;
	v6 =	vbroadcast v5, $0x4  }
0xf4: {  	v1 =	vmul.f32 v1, v8;
	v3 =	vmul.f32 v9, v3;
	v9 =	vld [tilespmem:s10+$0xFFFFFFE0]  }
0xf5: {  	[tilespmem:s10+$0xFFFFFF80] =	vst v2;
	v2 =	vmul.f32 v4, v10;
	v4 =	vbroadcast v5, $0x3  }
0xf6: {  	v6 =	vmul.f32 v7, v6;
	v7 =	vbroadcast v5, $0x5;
	[tilespmem:s10+$0xFFFFFFF0] =	vst v1  }
0xf7: {  	[tilespmem:s10+$0xFFFFFF90] =	vst v3;
	v1 =	vmul.f32 v11, v4;
	v3 =	vbroadcast v5, $0x6  }
0xf8: {  	v4 =	vmul.f32 v5, v12;
	[tilespmem:s10+$0xFFFFFFC0] =	vst v6;
	v0 =	vmul.f32 v0, v7  }
0xf9: {  	[tilespmem:s10+$0xFFFFFFB0] =	vst v1;
	v1 =	vmul.f32 v9, v3  }
0xfa: {  	[tilespmem:s10+$0xFFFFFF70] =	vst v4  }
0xfb: {  	[tilespmem:s10+$0xFFFFFFD0] =	vst v0  }
0xfc: {  	[tilespmem:s10+$0xFFFFFFE0] =	vst v1  }
0xfd: {  	[tilespmem:s10+$0xFFFFFFA0] =	vst v2  }
0xfe: {  	v0 =	vld [tilespmem:s7+$0x0]  }
0xff: {  	v1 =	vld [tilespmem:s15+$0x0];
	_ =	sdelay $0x4  }
0x100: {  	v0 =	vadd.f32 v1, v0;
	_ =	sdelay $0x1  }
0x101: {  	v1 =	vmul.f32 $2.000000030e-01, v0;
	_ =	sdelay $0x1  }
0x102: {  	v0 =	vmax.f32 v0, v1  }
0x103: {  	v0 =	vmul.f32 $1.442695020e+00, v0;
	_ =	sdelay $0x1  }
.Ltmp1:
0x104: {  	(erf) = vpow2.f32 v0;
	(pc) =	sbr.rel @p0 .LBB2_5-.Ltmp1, $2  }
0x105: {  	_ =	sdelay $0x2  }
0x106: {  	s10 =	sadd.s32 $0x120, s10  }
0x107: {  	_ =	sdelay $0x3  }
0x108: {  	v11 =	vld [tilespmem:s18+$0x0];
	v4 =	vpop (erf)  }
0x109: {  	v1 =	vld [tilespmem:s18+$0x40];
	v6 =	vbroadcast v4, $0x3  }
0x10a: {  	v2 =	vld [tilespmem:s18+$0x50];
	v8 =	vbroadcast v4, $0x4;
	v9 =	vbroadcast v4, $0x2  }
0x10b: {  	v3 =	vld [tilespmem:s18+$0x30];
	v56 =	vbroadcast v4, $0x5;
	v57 =	vbroadcast v4, $0x1  }
0x10c: {  	v5 =	vld [tilespmem:s18+$0x60];
	v58 =	vbroadcast v4, $0x6;
	v60 =	vbroadcast v4, $0x0  }
0x10d: {  	v0 =	vld [tilespmem:s18+$0x20];
	v61 =	vbroadcast v4, $0x7;
	v4 =	vmul.f32 v4, v11  }
0x10e: {  	v7 =	vld [tilespmem:s18+$0x10];
	v1 =	vmul.f32 v1, v6  }
0x10f: {  	v12 =	vld [tilespmem:s18+$0x80];
	v2 =	vmul.f32 v2, v8;
	[tilespmem:s18+$0x0] =	vst v4  }
0x110: {  	v10 =	vld [tilespmem:s18+$0x70];
	v3 =	vmul.f32 v3, v9;
	[tilespmem:s18+$0x40] =	vst v1  }
0x111: {  	v59 =	vmul.f32 v5, v56;
	[tilespmem:s18+$0x50] =	vst v2  }
0x112: {  	s0 =	sadd.s32 $0x1, s0;
	v0 =	vmul.f32 v57, v0;
	[tilespmem:s18+$0x30] =	vst v3  }
0x113: {  	s7 =	smul.u32 $0xA0, s17;
	p0 =	sne.s32 s0, $0x7D;
	v62 =	vmul.f32 v60, v7;
	[tilespmem:s18+$0x60] =	vst v59  }
.Ltmp2:
0x114: {  	v63 =	vmul.f32 v12, v61;
	[tilespmem:s18+$0x20] =	vst v0;
	(pc) =	sbr.rel @p0 .LBB2_2-.Ltmp2, $4  }
0x115: {  	v1 =	vmul.f32 v10, v58;
	[tilespmem:s18+$0x10] =	vst v62  }
0x116: {  	s7 =	sshra.s32 s7, $0x2;
	[tilespmem:s18+$0x80] =	vst v63  }
0x117: {  	s7 =	sadd.s32 $0x2710, s7;
	[tilespmem:s18+$0x70] =	vst v1  }
0x118: {  	[spmem:s2] =	stream.indirect.scatter.add.f32 [tilespmem:s22], [sflag:$0x8], $0x90, s7, s16, $0xb8;
	[tilespmem:$0x1ED20] =	vst v63  }
0x119: {  	_ =	swait.ge [sflag:s30], $0x1680  }
0x11a: {  	[sflag:s30] =	ssyncset.done $0x0  }
0x11b: {  	[sflag:s30] =	ssyncadd.s32 $0xFFFFE980  }
0x11c: {  	_ =	swait.ge [sflag:s31], $0x1680  }
0x11d: {  	s1 =	sadd.s32 $0x1, s1;
	[sflag:s31] =	ssyncset.done $0x0  }
0x11e: {  	p0 =	sne.s32 s1, s12;
	[sflag:s31] =	ssyncadd.s32 $0xFFFFE980  }
.Ltmp3:
0x11f: {  	[bflag:$0x0] =	sbarrier.arrive $0xFFFF;
	(pc) =	sbr.rel @p0 .LBB2_1-.Ltmp3, $4  }
0x120: {  	[hbm:s11], [sflag:s8] =	dma.local [spmem:s13], $0x2D00  }
0x121: {  	_ =	swait.ge [sflag:s14], $0x2D00  }
0x122: {  	[sflag:s14] =	ssyncset.done $0x0  }
0x123: {  	[sflag:s14] =	ssyncadd.s32 $0xFFFFD300  }
0x124: {  	_ =	sfence.sel $0x180000  }
0x125: {  	[bflag:$0x0] =	sbarrier.arrive $0xFFFF  }
0x126: {  	_ =	strace $0x90000047  }
0x127: {  	s0 =	stileid.u32;
	[bflag:$0x2] =	sbarrier.arrive $0xFFFF  }
0x128: {  	p0 =	sne.s32 s0, $0x0;
	s0 =	rddreg [dreg:$0x3]  }
0x129: {  	s0 =	sadd.s32 @!p0 $0x100000, s0  }
0x12a: {  	[sflag:s0] =	ssyncadd.tile.s32 @!p0 $0x1;
	_ =	shalt  }
.Lfunc_end2:
_tile_overlayer_lowered:
.L_overlay_start_2:
0x12b: {  	(tag) =	ssettag $0x2  }
0x12c: {  	s0 =	rddreg [dreg:$0x0];
	s2 =	stileid.u32  }
0x12d: {  	s1 =	rddreg [dreg:$0x1];
	p0 =	sne.s32 s2, $0x0  }
0x12e: {  	s3 =	rddreg [dreg:$0x2];
	[bflag:$0x3] =	sbarrier.arrive $0xFFFF;
	s2 =	simm.s32 @!p0 $0x1C09  }
0x12f: {  	[timem:s3], [sflag:s2] =	dma.local @!p0 [hbm:s0], s1  }
0x130: {  	s0 =	simm.s32 @!p0 $0x9  }
0x131: {  	_ =	swait.ge @!p0 [sflag:s0], s1  }
0x132: {  	s1 =	ssub.s32 @!p0 $0x0, s1;
	[sflag:s0] =	ssyncset.done @!p0 $0x0  }
0x133: {  	[sflag:s0] =	ssyncadd.s32 @!p0 s1  }
0x134: {  	[bflag:$0x3] =	sbarrier.arrive $0xFFFF  }
0x135: {  	_ =	shalt  }

</sc_bundles>
